<compile_context>
chip_gen: v7x
topology: tpu7x:2x2x1
jax: 0.10.2.dev20260603
libtpu: 0.0.44.dev20260713+nightly
codegen_flags: <defaults>
</compile_context>

<pallas_src>
import functools

import jax
import jax.numpy as jnp
import numpy as np
from jax.experimental import pallas as pl

_F = 256
_N = 8192
_NH = 50
_TEMP = 0.07
_LAM_DIS = 0.05
_LAM_INS = 0.05
_GAMMA = 0.9
_NK = 5
_MC = 8
_B = 64


def _acm_main_kernel(x_ref, t_ref, c_ref, proxy_ref, p_ref, q_ref,
                     loss_ref, gram_ref, rowmeans_ref):
    x = x_ref[...]
    nrm = jnp.sqrt(jnp.sum(x * x, axis=1, keepdims=True))
    xn = x / jnp.maximum(nrm, 1e-12)
    proxy = proxy_ref[...]
    ip = jax.lax.dot_general(xn, proxy, (((1,), (1,)), ((), ())),
                             preferred_element_type=jnp.float32)
    gram = jax.lax.dot_general(xn, xn, (((1,), (1,)), ((), ())),
                               preferred_element_type=jnp.float32)
    gram_ref[...] = gram

    t = t_ref[...]
    c = c_ref[...]
    p = p_ref[...]
    q = q_ref[...]

    sims = ip * (1.0 / _TEMP)
    pos = (t == p) & (c != q)
    neg = t != p
    npos = jnp.sum(pos.astype(jnp.float32), axis=1, keepdims=True)
    masked = sims + jnp.where(neg, 0.0, -9999999.0)

    iota = jax.lax.broadcasted_iota(jnp.int32, (_B, _N), 1)
    M = jnp.max(sims, axis=1, keepdims=True)
    pos_sum_exp = jnp.sum(jnp.where(pos, jnp.exp(sims - M), 0.0),
                          axis=1, keepdims=True)

    def body(k, carry):
        cur, acc, rem = carry
        m = jnp.max(cur, axis=1, keepdims=True)
        eq = cur == m
        cnt = jnp.sum(eq.astype(jnp.float32), axis=1, keepdims=True)
        sval = jnp.max(jnp.where(eq, sims, -1e30), axis=1, keepdims=True)
        take = jnp.minimum(cnt, rem)
        acc = acc + take * jnp.exp(sval - M)
        rem = rem - take
        cur = jnp.where(eq, -1e30, cur)
        return cur, acc, rem

    _, neg_sum_exp, _ = jax.lax.fori_loop(
        0, _NH, body, (masked, jnp.zeros((_B, 1), jnp.float32),
                       jnp.full((_B, 1), float(_NH), jnp.float32)))
    lse = jnp.log(pos_sum_exp + neg_sum_exp) + M
    mean_pos = (jnp.sum(jnp.where(pos, sims, 0.0), axis=1, keepdims=True)
                / jnp.maximum(npos, 1.0))
    per = lse - mean_pos
    loss_ref[...] = jnp.sum(jnp.where(npos > 0.0, per, 0.0),
                            axis=0, keepdims=True) / _B

    d2p = jnp.maximum(1.0 - ip, 1e-8)
    cols = []
    for cj in range(_MC):
        cm = q == cj
        pc = jnp.sum(cm.astype(jnp.float32), axis=1, keepdims=True)
        kc = jnp.minimum(float(_NK), pc)
        cur = jnp.where(cm, d2p, 1e9)
        acc = jnp.zeros((_B, 1), jnp.float32)
        rem = kc + jnp.zeros((_B, 1), jnp.float32)
        for k in range(_NK):
            m = jnp.min(cur, axis=1, keepdims=True)
            eq = cur == m
            cnt = jnp.sum(eq.astype(jnp.float32), axis=1, keepdims=True)
            take = jnp.minimum(cnt, rem)
            acc = acc + take * m
            rem = rem - take
            cur = jnp.where(eq, 2e9, cur)
        cols.append(acc / jnp.maximum(kc, 1.0))
    rowmeans_ref[...] = jnp.concatenate(cols, axis=1)


def _mmd_rbf(x, mask_x, y, mask_y):
    n = mask_x.sum().astype(jnp.int32)
    m = mask_y.sum().astype(jnp.int32)
    fx = mask_x.astype(jnp.float32)
    fy = mask_y.astype(jnp.float32)
    xx = (x[:, None] - x[None, :]) ** 2
    yy = (y[:, None] - y[None, :]) ** 2
    xy = (x[:, None] - y[None, :]) ** 2
    mxx = fx[:, None] * fx[None, :]
    myy = fy[:, None] * fy[None, :]
    mxy = fx[:, None] * fy[None, :]
    denom = jnp.maximum(1, n * n - n + m * m - m).astype(jnp.float32)
    sigma = jnp.maximum((xx * mxx).sum() + (yy * myy).sum(), 1e-06) / denom
    sigma = jnp.maximum(sigma, 1e-06)
    nn = jnp.maximum(n * n, 1).astype(jnp.float32)
    mm = jnp.maximum(m * m, 1).astype(jnp.float32)
    nm = jnp.maximum(n * m, 1).astype(jnp.float32)
    res = ((mxx * jnp.exp(-xx / sigma)).sum() / nn
           + (myy * jnp.exp(-yy / sigma)).sum() / mm
           - 2.0 * (mxy * jnp.exp(-xy / sigma)).sum() / nm)
    return jnp.where((n >= 2) & (m >= 2), res, 0.0).astype(jnp.float32)


@jax.jit
def kernel(inputs, targets, cams, proxy, pids, cids, D_cam):
    targets = targets.astype(jnp.int32)
    cams = cams.astype(jnp.int32)
    pids = pids.astype(jnp.int32)
    cids = cids.astype(jnp.int32)

    loss_main, gram, rowmeans = pl.pallas_call(
        _acm_main_kernel,
        out_shape=[
            jax.ShapeDtypeStruct((1, 1), jnp.float32),
            jax.ShapeDtypeStruct((_B, _B), jnp.float32),
            jax.ShapeDtypeStruct((_B, _MC), jnp.float32),
        ],
    )(inputs, targets.reshape(_B, 1), cams.reshape(_B, 1), proxy,
      pids.reshape(1, _N), cids.reshape(1, _N))
    loss = loss_main[0, 0]

    cam_range = jnp.arange(_MC)
    counts = jnp.sum(cams[None, :] == cam_range[:, None], axis=1)
    present = counts > 0
    has2 = jnp.sum(present) >= 2
    rank = jnp.cumsum(present.astype(jnp.int32)) - present.astype(jnp.int32)
    rank_or_neg = jnp.where(present, rank, -1)
    pcount = jnp.sum(cids[None, :] == cam_range[:, None], axis=1)

    pw2 = jnp.maximum(2.0 - 2.0 * gram, 0.0)
    ii, jj = np.triu_indices(_B, 1)
    dpair = jnp.sqrt(pw2[ii, jj])
    same = cams[ii] == cams[jj]

    xd = jnp.where(same, dpair, 0.0)
    yd = jnp.where(same, 0.0, dpair)
    loss_dis = _mmd_rbf(xd, same, yd, jnp.logical_not(same))

    D_work = D_cam
    for cc in range(_MC):
        mem = cams == cc
        pmask = (mem[ii] & mem[jj]).astype(jnp.float32)
        pc = pmask.sum()
        intra_mean = (pmask * dpair).sum() / jnp.maximum(pc, 1.0)
        r = jnp.maximum(rank_or_neg[cc], 0)
        old = D_work[r, r]
        newv = _GAMMA * old + (1.0 - _GAMMA) * jnp.maximum(intra_mean, 1e-06)
        D_work = D_work.at[r, r].set(jnp.where(counts[cc] >= 2, newv, old))
    for ci in range(_MC):
        memi = (cams == ci).astype(jnp.float32)
        for cj in range(_MC):
            if ci == cj:
                continue
            mean_d = ((rowmeans[:, cj] * memi).sum()
                      / jnp.maximum(counts[ci], 1).astype(jnp.float32))
            ri = jnp.maximum(rank_or_neg[ci], 0)
            rj = jnp.maximum(rank_or_neg[cj], 0)
            cond = present[ci] & present[cj] & (pcount[cj] > 0)
            old = D_work[ri, rj]
            newv = _GAMMA * old + (1.0 - _GAMMA) * jnp.maximum(mean_d, 1e-06)
            D_work = D_work.at[ri, rj].set(jnp.where(cond, newv, old))
    D = jnp.maximum(D_work, 1e-06)

    dist_raw = jnp.maximum(1.0 - gram, 1e-08)
    cam_idx_arr = rank_or_neg[cams]
    pos_mask_b = (targets[None, :] == targets[:, None]) & (
        cams[None, :] != cams[:, None])
    neg_mask_b = targets[None, :] != targets[:, None]
    hard_pos = jnp.argmin(jnp.where(pos_mask_b, dist_raw, jnp.inf), axis=1)
    hard_neg = jnp.argmax(jnp.where(neg_mask_b, dist_raw, -jnp.inf), axis=1)
    ic = cam_idx_arr
    ic_s = jnp.maximum(ic, 0)
    jc_pos = cam_idx_arr[hard_pos]
    jc_pos = jnp.where(jc_pos < 0, ic_s, jc_pos)
    jc_neg = cam_idx_arr[hard_neg]
    jc_neg = jnp.where(jc_neg < 0, ic_s, jc_neg)
    scale_pos = jnp.clip(D[ic_s, ic_s] / D[ic_s, jc_pos], 0.1, 10.0)
    scale_neg = jnp.clip(D[ic_s, ic_s] / D[ic_s, jc_neg], 0.1, 10.0)
    ar = jnp.arange(_B)
    d_pos = dist_raw[ar, hard_pos] * scale_pos
    d_neg = dist_raw[ar, hard_neg] * scale_neg
    valid = (ic >= 0) & (pos_mask_b.sum(axis=1) > 0) & (
        neg_mask_b.sum(axis=1) > 0)
    loss_ins = jnp.where(valid, jax.nn.relu(d_pos - d_neg + 0.2), 0.0).sum()
    loss_ins = loss_ins / jnp.maximum(valid.sum(), 1).astype(jnp.float32)

    loss = loss + jnp.where(has2, _LAM_DIS * loss_dis, 0.0)
    loss = loss + jnp.where(has2, _LAM_INS * loss_ins, 0.0)
    return loss

# --- scband reference (transcript-rebuilt; emitter-appended) ---
"""Pipeline reference for scband-acmproxy-1812476199332 (READ-ONLY COPY).

The authoritative reference and input builder live on the scoring server;
editing this copy changes nothing except your own understanding.
"""

import jax, jax.numpy as jnp
import numpy as np

NUM_FEATURES = 256
NUM_SAMPLES = 8192
NUM_HARDS = 50
TEMP = 0.07
LAM_DIS = 0.05
LAM_INS = 0.05
GAMMA = 0.9
NK = 5
MAX_CAMS = 8
B = 64
NUM_PIDS = 32


def _mmd_rbf(x, mask_x, y, mask_y):
    n = mask_x.sum().astype(jnp.int32)
    m = mask_y.sum().astype(jnp.int32)
    fx = mask_x.astype(jnp.float32)
    fy = mask_y.astype(jnp.float32)
    xx = (x[:, None] - x[None, :]) ** 2
    yy = (y[:, None] - y[None, :]) ** 2
    xy = (x[:, None] - y[None, :]) ** 2
    mxx = fx[:, None] * fx[None, :]
    myy = fy[:, None] * fy[None, :]
    mxy = fx[:, None] * fy[None, :]
    denom = jnp.maximum(1, n * n - n + m * m - m).astype(jnp.float32)
    sigma = jnp.maximum((xx * mxx).sum() + (yy * myy).sum(), 1e-06) / denom
    sigma = jnp.maximum(sigma, 1e-06)
    nn = jnp.maximum(n * n, 1).astype(jnp.float32)
    mm = jnp.maximum(m * m, 1).astype(jnp.float32)
    nm = jnp.maximum(n * m, 1).astype(jnp.float32)
    res = (mxx * jnp.exp(-xx / sigma)).sum() / nn + (myy * jnp.exp(-yy / sigma)).sum() / mm - 2.0 * (mxy * jnp.exp(-xy / sigma)).sum() / nm
    return jnp.where((n >= 2) & (m >= 2), res, 0.0).astype(jnp.float32)


def _acm_dis(inputs, cams):
    Bn = inputs.shape[0]
    pw2_all = ((inputs[:, None, :] - inputs[None, :, :]) ** 2).sum(2)
    ii, jj = np.triu_indices(Bn, 1)
    d = jnp.sqrt(jnp.maximum(pw2_all[ii, jj], 0.0))
    same = cams[ii] == cams[jj]
    x = jnp.where(same, d, 0.0)
    y = jnp.where(same, 0.0, d)
    return _mmd_rbf(x, same, y, jnp.logical_not(same))


def _acm_ins(inputs, proxy, D_cam, targets, cams, cids):
    Bn = inputs.shape[0]
    counts = jnp.sum(cams[None, :] == jnp.arange(MAX_CAMS)[:, None], axis=1)
    present = counts > 0
    rank = jnp.cumsum(present.astype(jnp.int32)) - present.astype(jnp.int32)
    rank_or_neg = jnp.where(present, rank, -1)
    pcount = jnp.sum(cids[None, :] == jnp.arange(MAX_CAMS)[:, None], axis=1)
    dist_to_proxy = jnp.maximum(1.0 - inputs @ proxy.T, 1e-08)
    pw2_full = ((inputs[:, None, :] - inputs[None, :, :]) ** 2).sum(2)
    ii, jj = np.triu_indices(Bn, 1)
    dpair = jnp.sqrt(jnp.maximum(pw2_full[ii, jj], 0.0))
    D_work = D_cam
    for c in range(MAX_CAMS):
        mem = cams == c
        pmask = (mem[ii] & mem[jj]).astype(jnp.float32)
        pc = pmask.sum()
        intra_mean = jax.lax.stop_gradient((pmask * dpair).sum() / jnp.maximum(pc, 1.0))
        r = jnp.maximum(rank_or_neg[c], 0)
        old = D_work[r, r]
        newv = GAMMA * old + (1.0 - GAMMA) * jnp.maximum(intra_mean, 1e-06)
        D_work = D_work.at[r, r].set(jnp.where(counts[c] >= 2, newv, old))
    rowmeans = []
    for cj in range(MAX_CAMS):
        md = jnp.where((cids == cj)[None, :], dist_to_proxy, 1000000000.0)
        smallk = -jax.lax.top_k(-md, NK)[0]
        kc = jnp.minimum(NK, pcount[cj])
        kmask = (jnp.arange(NK) < kc).astype(jnp.float32)
        rowmeans.append((smallk * kmask[None, :]).sum(1) / jnp.maximum(kc, 1).astype(jnp.float32))
    for ci in range(MAX_CAMS):
        memi = (cams == ci).astype(jnp.float32)
        for cj in range(MAX_CAMS):
            if ci == cj:
                continue
            mean_d = jax.lax.stop_gradient((rowmeans[cj] * memi).sum() / jnp.maximum(counts[ci], 1).astype(jnp.float32))
            ri = jnp.maximum(rank_or_neg[ci], 0)
            rj = jnp.maximum(rank_or_neg[cj], 0)
            cond = present[ci] & present[cj] & (pcount[cj] > 0)
            old = D_work[ri, rj]
            newv = GAMMA * old + (1.0 - GAMMA) * jnp.maximum(mean_d, 1e-06)
            D_work = D_work.at[ri, rj].set(jnp.where(cond, newv, old))
    D = jax.lax.stop_gradient(jnp.maximum(D_work, 1e-06))
    dist_raw = jnp.maximum(1.0 - inputs @ inputs.T, 1e-08)
    cam_idx_arr = rank_or_neg[cams].astype(jnp.int32)
    loss_ins = jnp.asarray(0.0, jnp.float32)
    count = jnp.asarray(0, jnp.int32)
    for i in range(Bn):
        ic = cam_idx_arr[i]
        ic_s = jnp.maximum(ic, 0)
        pos_mask = (targets == targets[i]) & (cams != cams[i])
        neg_mask = targets != targets[i]
        di = dist_raw[i]
        hard_pos = jnp.argmin(jnp.where(pos_mask, di, jnp.inf))
        hard_neg = jnp.argmax(jnp.where(neg_mask, di, -jnp.inf))
        jc_pos = cam_idx_arr[hard_pos]
        jc_pos = jnp.where(jc_pos < 0, ic_s, jc_pos)
        jc_neg = cam_idx_arr[hard_neg]
        jc_neg = jnp.where(jc_neg < 0, ic_s, jc_neg)
        scale_pos = jnp.clip(D[ic_s, ic_s] / D[ic_s, jc_pos], 0.1, 10.0)
        scale_neg = jnp.clip(D[ic_s, ic_s] / D[ic_s, jc_neg], 0.1, 10.0)
        d_pos = di[hard_pos] * scale_pos
        d_neg = di[hard_neg] * scale_neg
        valid = (ic >= 0) & (pos_mask.sum() > 0) & (neg_mask.sum() > 0)
        loss_ins = loss_ins + jnp.where(valid, jax.nn.relu(d_pos - d_neg + 0.2), 0.0)
        count = count + valid.astype(jnp.int32)
    loss_ins = loss_ins / jnp.maximum(count, 1).astype(jnp.float32)
    return loss_ins


def acm_forward(inputs, proxy, D_cam, targets, cams, pids, cids):
    Bn = inputs.shape[0]
    nrm = jnp.maximum(jnp.linalg.norm(inputs, axis=1, keepdims=True), 1e-12)
    inputs = inputs / nrm
    sims = (inputs @ proxy.T) / TEMP
    temp_sims = jax.lax.stop_gradient(sims)
    pos_mask = (targets[:, None] == pids[None, :]) & (cams[:, None] != cids[None, :])
    neg_mask = targets[:, None] != pids[None, :]
    npos = pos_mask.sum(axis=1)
    masked = temp_sims + (-9999999.0) * (1.0 - neg_mask.astype(jnp.float32))
    hard_neg_idx = jnp.argsort(-masked, axis=1)[:, :NUM_HARDS]
    neg_sims = jnp.take_along_axis(sims, hard_neg_idx, axis=1)
    pos_filled = jnp.where(pos_mask, sims, -jnp.inf)
    lse = jax.nn.logsumexp(jnp.concatenate([pos_filled, neg_sims], axis=1), axis=1)
    w = pos_mask.astype(jnp.float32) / jnp.maximum(npos, 1).astype(jnp.float32)[:, None]
    per = -(w * (sims - lse[:, None])).sum(axis=1)
    loss = jnp.where(npos > 0, per, 0.0).sum() / Bn
    n_uc = jnp.sum(jnp.sum(cams[None, :] == jnp.arange(MAX_CAMS)[:, None], axis=1) > 0)
    has2 = n_uc >= 2
    if LAM_DIS > 0:
        loss = loss + jnp.where(has2, LAM_DIS * _acm_dis(inputs, cams), 0.0)
    if LAM_INS > 0:
        loss = loss + jnp.where(has2, LAM_INS * _acm_ins(inputs, proxy, D_cam, targets, cams, cids), 0.0)
    return loss


def setup_inputs(seed: int = 0):
    key = jax.random.key(seed)
    ks = jax.random.split(key, 6)
    inputs = jax.random.normal(ks[0], (B, NUM_FEATURES), dtype=jnp.float32)
    targets = jax.random.randint(ks[1], (B,), 0, NUM_PIDS)
    cams = jax.random.randint(ks[2], (B,), 0, MAX_CAMS)
    proxy = jax.random.normal(ks[3], (NUM_SAMPLES, NUM_FEATURES), dtype=jnp.float32)
    proxy = proxy / jnp.maximum(jnp.linalg.norm(proxy, axis=1, keepdims=True), 1e-12)
    pids = jax.random.randint(ks[4], (NUM_SAMPLES,), 0, NUM_PIDS)
    cids = jax.random.randint(ks[5], (NUM_SAMPLES,), 0, MAX_CAMS)
    D_cam = jnp.ones((MAX_CAMS, MAX_CAMS), dtype=jnp.float32)
    return {"inputs": inputs, "targets": targets, "cams": cams, "proxy": proxy, "pids": pids, "cids": cids, "D_cam": D_cam}


def reference(inputs, targets, cams, proxy, pids, cids, D_cam):
    return acm_forward(inputs, proxy, D_cam, targets, cams, pids, cids)

if __name__ == "__main__":
    import jax
    _d = setup_inputs()
    print(jax.jit(kernel)(*tuple(_d.values())))

</pallas_src>

<mosaic_0001>
module attributes {stable_mosaic.version = 14 : i64} {
  func.func @_acm_main_kernel(%arg0: memref<64x256xf32, #tpu.memory_space<vmem>>, %arg1: memref<64x1xi32, #tpu.memory_space<vmem>>, %arg2: memref<64x1xi32, #tpu.memory_space<vmem>>, %arg3: memref<8192x256xf32, #tpu.memory_space<vmem>>, %arg4: memref<1x8192xi32, #tpu.memory_space<vmem>>, %arg5: memref<1x8192xi32, #tpu.memory_space<vmem>>, %arg6: memref<1x1xf32, #tpu.memory_space<vmem>>, %arg7: memref<64x64xf32, #tpu.memory_space<vmem>>, %arg8: memref<64x8xf32, #tpu.memory_space<vmem>>) attributes {dimension_semantics = [], scalar_prefetch = 0 : i64, scratch_operands = 0 : i64, tpu.core_type = #tpu.core_type<tc>} {
    %get3A = arith.constant 0 : index
    %get3A_0 = arith.constant 0 : index
    %get3A_1 = vector.load %arg0[%get3A, %get3A_0] : memref<64x256xf32, #tpu.memory_space<vmem>>, vector<64x256xf32>
    %mul3A = arith.mulf %get3A_1, %get3A_1 : vector<64x256xf32>
    %reduce_sum3A = arith.constant dense<0.000000e+00> : vector<64xf32>
    %reduce_sum3A_2 = vector.multi_reduction <add>, %mul3A, %reduce_sum3A [1] : vector<64x256xf32> to vector<64xf32>
    %broadcast_in_dim3A = vector.shape_cast %reduce_sum3A_2 : vector<64xf32> to vector<64x1xf32>
    %sqrt3A = math.sqrt %broadcast_in_dim3A : vector<64x1xf32>
    %max3A = arith.constant 9.99999996E-13 : f32
    %max3A_3 = vector.broadcast %max3A : f32 to vector<64x1xf32>
    %max3A_4 = arith.maximumf %sqrt3A, %max3A_3 : vector<64x1xf32>
    %div3A = vector.broadcast %max3A_4 : vector<64x1xf32> to vector<64x256xf32>
    %div3A_5 = arith.divf %get3A_1, %div3A : vector<64x256xf32>
    %get3A_6 = arith.constant 0 : index
    %get3A_7 = arith.constant 0 : index
    %get3A_8 = vector.load %arg3[%get3A_6, %get3A_7] : memref<8192x256xf32, #tpu.memory_space<vmem>>, vector<8192x256xf32>
    %dot_general3A = arith.constant dense<0.000000e+00> : vector<64x8192xf32>
    %dot_general3A_9 = tpu.matmul %div3A_5, %get3A_8, %dot_general3A {dimension_numbers = #tpu.dot_dimension_numbers<[1], [1], [0], [0], [0, 0, 1, 0], [], []>, transpose_lhs_hint = false} : vector<64x256xf32>, vector<8192x256xf32>, vector<64x8192xf32> -> vector<64x8192xf32>
    %dot_general3A_10 = arith.constant dense<0.000000e+00> : vector<64x64xf32>
    %dot_general3A_11 = tpu.matmul %div3A_5, %div3A_5, %dot_general3A_10 {dimension_numbers = #tpu.dot_dimension_numbers<[1], [1], [0], [0], [0, 0, 1, 0], [], []>, transpose_lhs_hint = false} : vector<64x256xf32>, vector<64x256xf32>, vector<64x64xf32> -> vector<64x64xf32>
    %swap3A = arith.constant 0 : index
    %swap3A_12 = arith.constant 0 : index
    %swap3A_13 = vector.load %arg7[%swap3A, %swap3A_12] : memref<64x64xf32, #tpu.memory_space<vmem>>, vector<64x64xf32>
    tpu.vector_store %arg7[%swap3A, %swap3A_12], %dot_general3A_11 {strides = array<i32>} : memref<64x64xf32, #tpu.memory_space<vmem>>, vector<64x64xf32>,
    %get3A_14 = arith.constant 0 : index
    %get3A_15 = arith.constant 0 : index
    %get3A_16 = vector.load %arg1[%get3A_14, %get3A_15] : memref<64x1xi32, #tpu.memory_space<vmem>>, vector<64x1xi32>
    %get3A_17 = arith.constant 0 : index
    %get3A_18 = arith.constant 0 : index
    %get3A_19 = vector.load %arg2[%get3A_17, %get3A_18] : memref<64x1xi32, #tpu.memory_space<vmem>>, vector<64x1xi32>
    %get3A_20 = arith.constant 0 : index
    %get3A_21 = arith.constant 0 : index
    %get3A_22 = vector.load %arg4[%get3A_20, %get3A_21] : memref<1x8192xi32, #tpu.memory_space<vmem>>, vector<1x8192xi32>
    %get3A_23 = arith.constant 0 : index
    %get3A_24 = arith.constant 0 : index
    %get3A_25 = vector.load %arg5[%get3A_23, %get3A_24] : memref<1x8192xi32, #tpu.memory_space<vmem>>, vector<1x8192xi32>
    %mul3A_26 = arith.constant 14.2857141 : f32
    %mul3A_27 = vector.broadcast %mul3A_26 : f32 to vector<64x8192xf32>
    %mul3A_28 = arith.mulf %dot_general3A_9, %mul3A_27 : vector<64x8192xf32>
    %eq3A = vector.broadcast %get3A_16 : vector<64x1xi32> to vector<64x8192xi32>
    %eq3A_29 = vector.broadcast %get3A_22 : vector<1x8192xi32> to vector<64x8192xi32>
    %eq3A_30 = arith.cmpi eq, %eq3A, %eq3A_29 : vector<64x8192xi32>
    %ne3A = vector.broadcast %get3A_19 : vector<64x1xi32> to vector<64x8192xi32>
    %ne3A_31 = vector.broadcast %get3A_25 : vector<1x8192xi32> to vector<64x8192xi32>
    %ne3A_32 = arith.cmpi ne, %ne3A, %ne3A_31 : vector<64x8192xi32>
    %and3A = arith.andi %eq3A_30, %ne3A_32 : vector<64x8192xi1>
    %ne3A_33 = vector.broadcast %get3A_16 : vector<64x1xi32> to vector<64x8192xi32>
    %ne3A_34 = vector.broadcast %get3A_22 : vector<1x8192xi32> to vector<64x8192xi32>
    %ne3A_35 = arith.cmpi ne, %ne3A_33, %ne3A_34 : vector<64x8192xi32>
    %convert_element_type3A = arith.extui %and3A : vector<64x8192xi1> to vector<64x8192xi32>
    %convert_element_type3A_36 = arith.sitofp %convert_element_type3A : vector<64x8192xi32> to vector<64x8192xf32>
    %reduce_sum3A_37 = arith.constant dense<0.000000e+00> : vector<64xf32>
    %reduce_sum3A_38 = vector.multi_reduction <add>, %convert_element_type3A_36, %reduce_sum3A_37 [1] : vector<64x8192xf32> to vector<64xf32>
    %broadcast_in_dim3A_39 = vector.shape_cast %reduce_sum3A_38 : vector<64xf32> to vector<64x1xf32>
    %jit3A = arith.constant 0.000000e+00 : f32
    %jit3A_40 = arith.constant 0xCB18967F : f32
    %broadcast_in_dim3A_41 = vector.broadcast %jit3A : f32 to vector<64x8192xf32>
    %broadcast_in_dim3A_42 = vector.broadcast %jit3A_40 : f32 to vector<64x8192xf32>
    %select_n3A = arith.select %ne3A_35, %broadcast_in_dim3A_41, %broadcast_in_dim3A_42 : vector<64x8192xi1>, vector<64x8192xf32>
    %add3A = arith.addf %mul3A_28, %select_n3A : vector<64x8192xf32>
    %reduce_max3A = arith.constant dense<0xFF800000> : vector<64xf32>
    %reduce_max3A_43 = vector.multi_reduction <maximumf>, %mul3A_28, %reduce_max3A [1] : vector<64x8192xf32> to vector<64xf32>
    %broadcast_in_dim3A_44 = vector.shape_cast %reduce_max3A_43 : vector<64xf32> to vector<64x1xf32>
    %sub3A = vector.broadcast %broadcast_in_dim3A_44 : vector<64x1xf32> to vector<64x8192xf32>
    %sub3A_45 = arith.subf %mul3A_28, %sub3A : vector<64x8192xf32>
    %exp3A = math.exp %sub3A_45 : vector<64x8192xf32>
    %jit3A_46 = arith.constant 0.000000e+00 : f32
    %broadcast_in_dim3A_47 = vector.broadcast %jit3A_46 : f32 to vector<64x8192xf32>
    %select_n3A_48 = arith.select %and3A, %exp3A, %broadcast_in_dim3A_47 : vector<64x8192xi1>, vector<64x8192xf32>
    %reduce_sum3A_49 = arith.constant dense<0.000000e+00> : vector<64xf32>
    %reduce_sum3A_50 = vector.multi_reduction <add>, %select_n3A_48, %reduce_sum3A_49 [1] : vector<64x8192xf32> to vector<64xf32>
    %broadcast_in_dim3A_51 = vector.shape_cast %reduce_sum3A_50 : vector<64xf32> to vector<64x1xf32>
    %broadcast_in_dim3A_52 = arith.constant 0.000000e+00 : f32
    %broadcast_in_dim3A_53 = vector.broadcast %broadcast_in_dim3A_52 : f32 to vector<64x1xf32>
    %broadcast_in_dim3A_54 = arith.constant 5.000000e+01 : f32
    %broadcast_in_dim3A_55 = vector.broadcast %broadcast_in_dim3A_54 : f32 to vector<64x1xf32>
    %scan3A = arith.constant 0 : i32
    %scan3A_56 = arith.constant 50 : i32
    %scan3A_57 = arith.addi %scan3A, %scan3A_56 : i32
    %scan3A_58 = arith.constant 1 : i32
    %scan3A_59:3 = scf.for %scan3A_958 = %scan3A to %scan3A_57 step %scan3A_58 iter_args(%scan3A_959 = %add3A, %scan3A_960 = %broadcast_in_dim3A_53, %scan3A_961 = %broadcast_in_dim3A_55) -> (vector<64x8192xf32>, vector<64x1xf32>, vector<64x1xf32>)  : i32 {
      %reduce_max3A_962 = arith.constant dense<0xFF800000> : vector<64xf32>
      %reduce_max3A_963 = vector.multi_reduction <maximumf>, %scan3A_959, %reduce_max3A_962 [1] : vector<64x8192xf32> to vector<64xf32>
      %broadcast_in_dim3A_964 = vector.shape_cast %reduce_max3A_963 : vector<64xf32> to vector<64x1xf32>
      %eq3A_965 = vector.broadcast %broadcast_in_dim3A_964 : vector<64x1xf32> to vector<64x8192xf32>
      %eq3A_966 = arith.cmpf oeq, %scan3A_959, %eq3A_965 : vector<64x8192xf32>
      %convert_element_type3A_967 = arith.extui %eq3A_966 : vector<64x8192xi1> to vector<64x8192xi32>
      %convert_element_type3A_968 = arith.sitofp %convert_element_type3A_967 : vector<64x8192xi32> to vector<64x8192xf32>
      %reduce_sum3A_969 = arith.constant dense<0.000000e+00> : vector<64xf32>
      %reduce_sum3A_970 = vector.multi_reduction <add>, %convert_element_type3A_968, %reduce_sum3A_969 [1] : vector<64x8192xf32> to vector<64xf32>
      %broadcast_in_dim3A_971 = vector.shape_cast %reduce_sum3A_970 : vector<64xf32> to vector<64x1xf32>
      %jit3A_972 = arith.constant -1.000000e+30 : f32
      %broadcast_in_dim3A_973 = vector.broadcast %jit3A_972 : f32 to vector<64x8192xf32>
      %select_n3A_974 = arith.select %eq3A_966, %mul3A_28, %broadcast_in_dim3A_973 : vector<64x8192xi1>, vector<64x8192xf32>
      %reduce_max3A_975 = arith.constant dense<0xFF800000> : vector<64xf32>
      %reduce_max3A_976 = vector.multi_reduction <maximumf>, %select_n3A_974, %reduce_max3A_975 [1] : vector<64x8192xf32> to vector<64xf32>
      %broadcast_in_dim3A_977 = vector.shape_cast %reduce_max3A_976 : vector<64xf32> to vector<64x1xf32>
      %min3A_978 = arith.minimumf %broadcast_in_dim3A_971, %scan3A_961 : vector<64x1xf32>
      %sub3A_979 = arith.subf %broadcast_in_dim3A_977, %broadcast_in_dim3A_44 : vector<64x1xf32>
      %exp3A_980 = math.exp %sub3A_979 : vector<64x1xf32>
      %mul3A_981 = arith.mulf %min3A_978, %exp3A_980 : vector<64x1xf32>
      %add3A_982 = arith.addf %scan3A_960, %mul3A_981 : vector<64x1xf32>
      %sub3A_983 = arith.subf %scan3A_961, %min3A_978 : vector<64x1xf32>
      %jit3A_984 = arith.constant -1.000000e+30 : f32
      %broadcast_in_dim3A_985 = vector.broadcast %jit3A_984 : f32 to vector<64x8192xf32>
      %select_n3A_986 = arith.select %eq3A_966, %broadcast_in_dim3A_985, %scan3A_959 : vector<64x8192xi1>, vector<64x8192xf32>
      scf.yield %select_n3A_986, %add3A_982, %sub3A_983 : vector<64x8192xf32>, vector<64x1xf32>, vector<64x1xf32>
    }
    %add3A_60 = arith.addf %broadcast_in_dim3A_51, %scan3A_59#1 : vector<64x1xf32>
    %log3A = math.log %add3A_60 : vector<64x1xf32>
    %add3A_61 = arith.addf %log3A, %broadcast_in_dim3A_44 : vector<64x1xf32>
    %jit3A_62 = arith.constant 0.000000e+00 : f32
    %broadcast_in_dim3A_63 = vector.broadcast %jit3A_62 : f32 to vector<64x8192xf32>
    %select_n3A_64 = arith.select %and3A, %mul3A_28, %broadcast_in_dim3A_63 : vector<64x8192xi1>, vector<64x8192xf32>
    %reduce_sum3A_65 = arith.constant dense<0.000000e+00> : vector<64xf32>
    %reduce_sum3A_66 = vector.multi_reduction <add>, %select_n3A_64, %reduce_sum3A_65 [1] : vector<64x8192xf32> to vector<64xf32>
    %broadcast_in_dim3A_67 = vector.shape_cast %reduce_sum3A_66 : vector<64xf32> to vector<64x1xf32>
    %max3A_68 = arith.constant 1.000000e+00 : f32
    %max3A_69 = vector.broadcast %max3A_68 : f32 to vector<64x1xf32>
    %max3A_70 = arith.maximumf %broadcast_in_dim3A_39, %max3A_69 : vector<64x1xf32>
    %div3A_71 = arith.divf %broadcast_in_dim3A_67, %max3A_70 : vector<64x1xf32>
    %sub3A_72 = arith.subf %add3A_61, %div3A_71 : vector<64x1xf32>
    %gt3A = arith.constant 0.000000e+00 : f32
    %gt3A_73 = vector.broadcast %gt3A : f32 to vector<64x1xf32>
    %gt3A_74 = arith.cmpf ogt, %broadcast_in_dim3A_39, %gt3A_73 : vector<64x1xf32>
    %jit3A_75 = arith.constant 0.000000e+00 : f32
    %broadcast_in_dim3A_76 = vector.broadcast %jit3A_75 : f32 to vector<64x1xf32>
    %select_n3A_77 = arith.select %gt3A_74, %sub3A_72, %broadcast_in_dim3A_76 : vector<64x1xi1>, vector<64x1xf32>
    %reduce_sum3A_78 = arith.constant dense<0.000000e+00> : vector<1xf32>
    %reduce_sum3A_79 = vector.multi_reduction <add>, %select_n3A_77, %reduce_sum3A_78 [0] : vector<64x1xf32> to vector<1xf32>
    %broadcast_in_dim3A_80 = vector.shape_cast %reduce_sum3A_79 : vector<1xf32> to vector<1x1xf32>
    %div3A_81 = arith.constant 6.400000e+01 : f32
    %div3A_82 = vector.broadcast %div3A_81 : f32 to vector<1x1xf32>
    %div3A_83 = arith.divf %broadcast_in_dim3A_80, %div3A_82 : vector<1x1xf32>
    %swap3A_84 = arith.constant 0 : index
    %swap3A_85 = arith.constant 0 : index
    %swap3A_86 = vector.load %arg6[%swap3A_84, %swap3A_85] : memref<1x1xf32, #tpu.memory_space<vmem>>, vector<1x1xf32>
    tpu.vector_store %arg6[%swap3A_84, %swap3A_85], %div3A_83 {strides = array<i32>} : memref<1x1xf32, #tpu.memory_space<vmem>>, vector<1x1xf32>,
    %sub3A_87 = arith.constant 1.000000e+00 : f32
    %sub3A_88 = vector.broadcast %sub3A_87 : f32 to vector<64x8192xf32>
    %sub3A_89 = arith.subf %sub3A_88, %dot_general3A_9 : vector<64x8192xf32>
    %max3A_90 = arith.constant 9.99999993E-9 : f32
    %max3A_91 = vector.broadcast %max3A_90 : f32 to vector<64x8192xf32>
    %max3A_92 = arith.maximumf %sub3A_89, %max3A_91 : vector<64x8192xf32>
    %eq3A_93 = arith.constant 0 : i32
    %eq3A_94 = vector.broadcast %eq3A_93 : i32 to vector<1x8192xi32>
    %eq3A_95 = arith.cmpi eq, %get3A_25, %eq3A_94 : vector<1x8192xi32>
    %convert_element_type3A_96 = arith.extui %eq3A_95 : vector<1x8192xi1> to vector<1x8192xi32>
    %convert_element_type3A_97 = arith.sitofp %convert_element_type3A_96 : vector<1x8192xi32> to vector<1x8192xf32>
    %reduce_sum3A_98 = arith.constant dense<0.000000e+00> : vector<1xf32>
    %reduce_sum3A_99 = vector.multi_reduction <add>, %convert_element_type3A_97, %reduce_sum3A_98 [1] : vector<1x8192xf32> to vector<1xf32>
    %broadcast_in_dim3A_100 = vector.shape_cast %reduce_sum3A_99 : vector<1xf32> to vector<1x1xf32>
    %min3A = arith.constant 5.000000e+00 : f32
    %min3A_101 = vector.broadcast %min3A : f32 to vector<1x1xf32>
    %min3A_102 = arith.minimumf %min3A_101, %broadcast_in_dim3A_100 : vector<1x1xf32>
    %jit3A_103 = arith.constant 1.000000e+09 : f32
    %broadcast_in_dim3A_104 = vector.shape_cast %eq3A_95 : vector<1x8192xi1> to vector<1x8192xi1>
    %broadcast_in_dim3A_105 = vector.broadcast %broadcast_in_dim3A_104 : vector<1x8192xi1> to vector<64x8192xi1>
    %broadcast_in_dim3A_106 = vector.broadcast %jit3A_103 : f32 to vector<64x8192xf32>
    %select_n3A_107 = arith.select %broadcast_in_dim3A_105, %max3A_92, %broadcast_in_dim3A_106 : vector<64x8192xi1>, vector<64x8192xf32>
    %broadcast_in_dim3A_108 = arith.constant 0.000000e+00 : f32
    %broadcast_in_dim3A_109 = vector.broadcast %broadcast_in_dim3A_108 : f32 to vector<64x1xf32>
    %broadcast_in_dim3A_110 = arith.constant 0.000000e+00 : f32
    %broadcast_in_dim3A_111 = vector.broadcast %broadcast_in_dim3A_110 : f32 to vector<64x1xf32>
    %add3A_112 = vector.broadcast %min3A_102 : vector<1x1xf32> to vector<64x1xf32>
    %add3A_113 = arith.addf %add3A_112, %broadcast_in_dim3A_111 : vector<64x1xf32>
    %reduce_min3A = arith.constant dense<0x7F800000> : vector<64xf32>
    %reduce_min3A_114 = vector.multi_reduction <minimumf>, %select_n3A_107, %reduce_min3A [1] : vector<64x8192xf32> to vector<64xf32>
    %broadcast_in_dim3A_115 = vector.shape_cast %reduce_min3A_114 : vector<64xf32> to vector<64x1xf32>
    %eq3A_116 = vector.broadcast %broadcast_in_dim3A_115 : vector<64x1xf32> to vector<64x8192xf32>
    %eq3A_117 = arith.cmpf oeq, %select_n3A_107, %eq3A_116 : vector<64x8192xf32>
    %convert_element_type3A_118 = arith.extui %eq3A_117 : vector<64x8192xi1> to vector<64x8192xi32>
    %convert_element_type3A_119 = arith.sitofp %convert_element_type3A_118 : vector<64x8192xi32> to vector<64x8192xf32>
    %reduce_sum3A_120 = arith.constant dense<0.000000e+00> : vector<64xf32>
    %reduce_sum3A_121 = vector.multi_reduction <add>, %convert_element_type3A_119, %reduce_sum3A_120 [1] : vector<64x8192xf32> to vector<64xf32>
    %broadcast_in_dim3A_122 = vector.shape_cast %reduce_sum3A_121 : vector<64xf32> to vector<64x1xf32>
    %min3A_123 = arith.minimumf %broadcast_in_dim3A_122, %add3A_113 : vector<64x1xf32>
    %mul3A_124 = arith.mulf %min3A_123, %broadcast_in_dim3A_115 : vector<64x1xf32>
    %add3A_125 = arith.addf %broadcast_in_dim3A_109, %mul3A_124 : vector<64x1xf32>
    %sub3A_126 = arith.subf %add3A_113, %min3A_123 : vector<64x1xf32>
    %jit3A_127 = arith.constant 2.000000e+09 : f32
    %broadcast_in_dim3A_128 = vector.broadcast %jit3A_127 : f32 to vector<64x8192xf32>
    %select_n3A_129 = arith.select %eq3A_117, %broadcast_in_dim3A_128, %select_n3A_107 : vector<64x8192xi1>, vector<64x8192xf32>
    %reduce_min3A_130 = arith.constant dense<0x7F800000> : vector<64xf32>
    %reduce_min3A_131 = vector.multi_reduction <minimumf>, %select_n3A_129, %reduce_min3A_130 [1] : vector<64x8192xf32> to vector<64xf32>
    %broadcast_in_dim3A_132 = vector.shape_cast %reduce_min3A_131 : vector<64xf32> to vector<64x1xf32>
    %eq3A_133 = vector.broadcast %broadcast_in_dim3A_132 : vector<64x1xf32> to vector<64x8192xf32>
    %eq3A_134 = arith.cmpf oeq, %select_n3A_129, %eq3A_133 : vector<64x8192xf32>
    %convert_element_type3A_135 = arith.extui %eq3A_134 : vector<64x8192xi1> to vector<64x8192xi32>
    %convert_element_type3A_136 = arith.sitofp %convert_element_type3A_135 : vector<64x8192xi32> to vector<64x8192xf32>
    %reduce_sum3A_137 = arith.constant dense<0.000000e+00> : vector<64xf32>
    %reduce_sum3A_138 = vector.multi_reduction <add>, %convert_element_type3A_136, %reduce_sum3A_137 [1] : vector<64x8192xf32> to vector<64xf32>
    %broadcast_in_dim3A_139 = vector.shape_cast %reduce_sum3A_138 : vector<64xf32> to vector<64x1xf32>
    %min3A_140 = arith.minimumf %broadcast_in_dim3A_139, %sub3A_126 : vector<64x1xf32>
    %mul3A_141 = arith.mulf %min3A_140, %broadcast_in_dim3A_132 : vector<64x1xf32>
    %add3A_142 = arith.addf %add3A_125, %mul3A_141 : vector<64x1xf32>
    %sub3A_143 = arith.subf %sub3A_126, %min3A_140 : vector<64x1xf32>
    %jit3A_144 = arith.constant 2.000000e+09 : f32
    %broadcast_in_dim3A_145 = vector.broadcast %jit3A_144 : f32 to vector<64x8192xf32>
    %select_n3A_146 = arith.select %eq3A_134, %broadcast_in_dim3A_145, %select_n3A_129 : vector<64x8192xi1>, vector<64x8192xf32>
    %reduce_min3A_147 = arith.constant dense<0x7F800000> : vector<64xf32>
    %reduce_min3A_148 = vector.multi_reduction <minimumf>, %select_n3A_146, %reduce_min3A_147 [1] : vector<64x8192xf32> to vector<64xf32>
    %broadcast_in_dim3A_149 = vector.shape_cast %reduce_min3A_148 : vector<64xf32> to vector<64x1xf32>
    %eq3A_150 = vector.broadcast %broadcast_in_dim3A_149 : vector<64x1xf32> to vector<64x8192xf32>
    %eq3A_151 = arith.cmpf oeq, %select_n3A_146, %eq3A_150 : vector<64x8192xf32>
    %convert_element_type3A_152 = arith.extui %eq3A_151 : vector<64x8192xi1> to vector<64x8192xi32>
    %convert_element_type3A_153 = arith.sitofp %convert_element_type3A_152 : vector<64x8192xi32> to vector<64x8192xf32>
    %reduce_sum3A_154 = arith.constant dense<0.000000e+00> : vector<64xf32>
    %reduce_sum3A_155 = vector.multi_reduction <add>, %convert_element_type3A_153, %reduce_sum3A_154 [1] : vector<64x8192xf32> to vector<64xf32>
    %broadcast_in_dim3A_156 = vector.shape_cast %reduce_sum3A_155 : vector<64xf32> to vector<64x1xf32>
    %min3A_157 = arith.minimumf %broadcast_in_dim3A_156, %sub3A_143 : vector<64x1xf32>
    %mul3A_158 = arith.mulf %min3A_157, %broadcast_in_dim3A_149 : vector<64x1xf32>
    %add3A_159 = arith.addf %add3A_142, %mul3A_158 : vector<64x1xf32>
    %sub3A_160 = arith.subf %sub3A_143, %min3A_157 : vector<64x1xf32>
    %jit3A_161 = arith.constant 2.000000e+09 : f32
    %broadcast_in_dim3A_162 = vector.broadcast %jit3A_161 : f32 to vector<64x8192xf32>
    %select_n3A_163 = arith.select %eq3A_151, %broadcast_in_dim3A_162, %select_n3A_146 : vector<64x8192xi1>, vector<64x8192xf32>
    %reduce_min3A_164 = arith.constant dense<0x7F800000> : vector<64xf32>
    %reduce_min3A_165 = vector.multi_reduction <minimumf>, %select_n3A_163, %reduce_min3A_164 [1] : vector<64x8192xf32> to vector<64xf32>
    %broadcast_in_dim3A_166 = vector.shape_cast %reduce_min3A_165 : vector<64xf32> to vector<64x1xf32>
    %eq3A_167 = vector.broadcast %broadcast_in_dim3A_166 : vector<64x1xf32> to vector<64x8192xf32>
    %eq3A_168 = arith.cmpf oeq, %select_n3A_163, %eq3A_167 : vector<64x8192xf32>
    %convert_element_type3A_169 = arith.extui %eq3A_168 : vector<64x8192xi1> to vector<64x8192xi32>
    %convert_element_type3A_170 = arith.sitofp %convert_element_type3A_169 : vector<64x8192xi32> to vector<64x8192xf32>
    %reduce_sum3A_171 = arith.constant dense<0.000000e+00> : vector<64xf32>
    %reduce_sum3A_172 = vector.multi_reduction <add>, %convert_element_type3A_170, %reduce_sum3A_171 [1] : vector<64x8192xf32> to vector<64xf32>
    %broadcast_in_dim3A_173 = vector.shape_cast %reduce_sum3A_172 : vector<64xf32> to vector<64x1xf32>
    %min3A_174 = arith.minimumf %broadcast_in_dim3A_173, %sub3A_160 : vector<64x1xf32>
    %mul3A_175 = arith.mulf %min3A_174, %broadcast_in_dim3A_166 : vector<64x1xf32>
    %add3A_176 = arith.addf %add3A_159, %mul3A_175 : vector<64x1xf32>
    %sub3A_177 = arith.subf %sub3A_160, %min3A_174 : vector<64x1xf32>
    %jit3A_178 = arith.constant 2.000000e+09 : f32
    %broadcast_in_dim3A_179 = vector.broadcast %jit3A_178 : f32 to vector<64x8192xf32>
    %select_n3A_180 = arith.select %eq3A_168, %broadcast_in_dim3A_179, %select_n3A_163 : vector<64x8192xi1>, vector<64x8192xf32>
    %reduce_min3A_181 = arith.constant dense<0x7F800000> : vector<64xf32>
    %reduce_min3A_182 = vector.multi_reduction <minimumf>, %select_n3A_180, %reduce_min3A_181 [1] : vector<64x8192xf32> to vector<64xf32>
    %broadcast_in_dim3A_183 = vector.shape_cast %reduce_min3A_182 : vector<64xf32> to vector<64x1xf32>
    %eq3A_184 = vector.broadcast %broadcast_in_dim3A_183 : vector<64x1xf32> to vector<64x8192xf32>
    %eq3A_185 = arith.cmpf oeq, %select_n3A_180, %eq3A_184 : vector<64x8192xf32>
    %convert_element_type3A_186 = arith.extui %eq3A_185 : vector<64x8192xi1> to vector<64x8192xi32>
    %convert_element_type3A_187 = arith.sitofp %convert_element_type3A_186 : vector<64x8192xi32> to vector<64x8192xf32>
    %reduce_sum3A_188 = arith.constant dense<0.000000e+00> : vector<64xf32>
    %reduce_sum3A_189 = vector.multi_reduction <add>, %convert_element_type3A_187, %reduce_sum3A_188 [1] : vector<64x8192xf32> to vector<64xf32>
    %broadcast_in_dim3A_190 = vector.shape_cast %reduce_sum3A_189 : vector<64xf32> to vector<64x1xf32>
    %min3A_191 = arith.minimumf %broadcast_in_dim3A_190, %sub3A_177 : vector<64x1xf32>
    %mul3A_192 = arith.mulf %min3A_191, %broadcast_in_dim3A_183 : vector<64x1xf32>
    %add3A_193 = arith.addf %add3A_176, %mul3A_192 : vector<64x1xf32>
    %max3A_194 = arith.constant 1.000000e+00 : f32
    %max3A_195 = vector.broadcast %max3A_194 : f32 to vector<1x1xf32>
    %max3A_196 = arith.maximumf %min3A_102, %max3A_195 : vector<1x1xf32>
    %div3A_197 = vector.broadcast %max3A_196 : vector<1x1xf32> to vector<64x1xf32>
    %div3A_198 = arith.divf %add3A_193, %div3A_197 : vector<64x1xf32>
    %eq3A_199 = arith.constant 1 : i32
    %eq3A_200 = vector.broadcast %eq3A_199 : i32 to vector<1x8192xi32>
    %eq3A_201 = arith.cmpi eq, %get3A_25, %eq3A_200 : vector<1x8192xi32>
    %convert_element_type3A_202 = arith.extui %eq3A_201 : vector<1x8192xi1> to vector<1x8192xi32>
    %convert_element_type3A_203 = arith.sitofp %convert_element_type3A_202 : vector<1x8192xi32> to vector<1x8192xf32>
    %reduce_sum3A_204 = arith.constant dense<0.000000e+00> : vector<1xf32>
    %reduce_sum3A_205 = vector.multi_reduction <add>, %convert_element_type3A_203, %reduce_sum3A_204 [1] : vector<1x8192xf32> to vector<1xf32>
    %broadcast_in_dim3A_206 = vector.shape_cast %reduce_sum3A_205 : vector<1xf32> to vector<1x1xf32>
    %min3A_207 = arith.constant 5.000000e+00 : f32
    %min3A_208 = vector.broadcast %min3A_207 : f32 to vector<1x1xf32>
    %min3A_209 = arith.minimumf %min3A_208, %broadcast_in_dim3A_206 : vector<1x1xf32>
    %jit3A_210 = arith.constant 1.000000e+09 : f32
    %broadcast_in_dim3A_211 = vector.shape_cast %eq3A_201 : vector<1x8192xi1> to vector<1x8192xi1>
    %broadcast_in_dim3A_212 = vector.broadcast %broadcast_in_dim3A_211 : vector<1x8192xi1> to vector<64x8192xi1>
    %broadcast_in_dim3A_213 = vector.broadcast %jit3A_210 : f32 to vector<64x8192xf32>
    %select_n3A_214 = arith.select %broadcast_in_dim3A_212, %max3A_92, %broadcast_in_dim3A_213 : vector<64x8192xi1>, vector<64x8192xf32>
    %broadcast_in_dim3A_215 = arith.constant 0.000000e+00 : f32
    %broadcast_in_dim3A_216 = vector.broadcast %broadcast_in_dim3A_215 : f32 to vector<64x1xf32>
    %broadcast_in_dim3A_217 = arith.constant 0.000000e+00 : f32
    %broadcast_in_dim3A_218 = vector.broadcast %broadcast_in_dim3A_217 : f32 to vector<64x1xf32>
    %add3A_219 = vector.broadcast %min3A_209 : vector<1x1xf32> to vector<64x1xf32>
    %add3A_220 = arith.addf %add3A_219, %broadcast_in_dim3A_218 : vector<64x1xf32>
    %reduce_min3A_221 = arith.constant dense<0x7F800000> : vector<64xf32>
    %reduce_min3A_222 = vector.multi_reduction <minimumf>, %select_n3A_214, %reduce_min3A_221 [1] : vector<64x8192xf32> to vector<64xf32>
    %broadcast_in_dim3A_223 = vector.shape_cast %reduce_min3A_222 : vector<64xf32> to vector<64x1xf32>
    %eq3A_224 = vector.broadcast %broadcast_in_dim3A_223 : vector<64x1xf32> to vector<64x8192xf32>
    %eq3A_225 = arith.cmpf oeq, %select_n3A_214, %eq3A_224 : vector<64x8192xf32>
    %convert_element_type3A_226 = arith.extui %eq3A_225 : vector<64x8192xi1> to vector<64x8192xi32>
    %convert_element_type3A_227 = arith.sitofp %convert_element_type3A_226 : vector<64x8192xi32> to vector<64x8192xf32>
    %reduce_sum3A_228 = arith.constant dense<0.000000e+00> : vector<64xf32>
    %reduce_sum3A_229 = vector.multi_reduction <add>, %convert_element_type3A_227, %reduce_sum3A_228 [1] : vector<64x8192xf32> to vector<64xf32>
    %broadcast_in_dim3A_230 = vector.shape_cast %reduce_sum3A_229 : vector<64xf32> to vector<64x1xf32>
    %min3A_231 = arith.minimumf %broadcast_in_dim3A_230, %add3A_220 : vector<64x1xf32>
    %mul3A_232 = arith.mulf %min3A_231, %broadcast_in_dim3A_223 : vector<64x1xf32>
    %add3A_233 = arith.addf %broadcast_in_dim3A_216, %mul3A_232 : vector<64x1xf32>
    %sub3A_234 = arith.subf %add3A_220, %min3A_231 : vector<64x1xf32>
    %jit3A_235 = arith.constant 2.000000e+09 : f32
    %broadcast_in_dim3A_236 = vector.broadcast %jit3A_235 : f32 to vector<64x8192xf32>
    %select_n3A_237 = arith.select %eq3A_225, %broadcast_in_dim3A_236, %select_n3A_214 : vector<64x8192xi1>, vector<64x8192xf32>
    %reduce_min3A_238 = arith.constant dense<0x7F800000> : vector<64xf32>
    %reduce_min3A_239 = vector.multi_reduction <minimumf>, %select_n3A_237, %reduce_min3A_238 [1] : vector<64x8192xf32> to vector<64xf32>
    %broadcast_in_dim3A_240 = vector.shape_cast %reduce_min3A_239 : vector<64xf32> to vector<64x1xf32>
    %eq3A_241 = vector.broadcast %broadcast_in_dim3A_240 : vector<64x1xf32> to vector<64x8192xf32>
    %eq3A_242 = arith.cmpf oeq, %select_n3A_237, %eq3A_241 : vector<64x8192xf32>
    %convert_element_type3A_243 = arith.extui %eq3A_242 : vector<64x8192xi1> to vector<64x8192xi32>
    %convert_element_type3A_244 = arith.sitofp %convert_element_type3A_243 : vector<64x8192xi32> to vector<64x8192xf32>
    %reduce_sum3A_245 = arith.constant dense<0.000000e+00> : vector<64xf32>
    %reduce_sum3A_246 = vector.multi_reduction <add>, %convert_element_type3A_244, %reduce_sum3A_245 [1] : vector<64x8192xf32> to vector<64xf32>
    %broadcast_in_dim3A_247 = vector.shape_cast %reduce_sum3A_246 : vector<64xf32> to vector<64x1xf32>
    %min3A_248 = arith.minimumf %broadcast_in_dim3A_247, %sub3A_234 : vector<64x1xf32>
    %mul3A_249 = arith.mulf %min3A_248, %broadcast_in_dim3A_240 : vector<64x1xf32>
    %add3A_250 = arith.addf %add3A_233, %mul3A_249 : vector<64x1xf32>
    %sub3A_251 = arith.subf %sub3A_234, %min3A_248 : vector<64x1xf32>
    %jit3A_252 = arith.constant 2.000000e+09 : f32
    %broadcast_in_dim3A_253 = vector.broadcast %jit3A_252 : f32 to vector<64x8192xf32>
    %select_n3A_254 = arith.select %eq3A_242, %broadcast_in_dim3A_253, %select_n3A_237 : vector<64x8192xi1>, vector<64x8192xf32>
    %reduce_min3A_255 = arith.constant dense<0x7F800000> : vector<64xf32>
    %reduce_min3A_256 = vector.multi_reduction <minimumf>, %select_n3A_254, %reduce_min3A_255 [1] : vector<64x8192xf32> to vector<64xf32>
    %broadcast_in_dim3A_257 = vector.shape_cast %reduce_min3A_256 : vector<64xf32> to vector<64x1xf32>
    %eq3A_258 = vector.broadcast %broadcast_in_dim3A_257 : vector<64x1xf32> to vector<64x8192xf32>
    %eq3A_259 = arith.cmpf oeq, %select_n3A_254, %eq3A_258 : vector<64x8192xf32>
    %convert_element_type3A_260 = arith.extui %eq3A_259 : vector<64x8192xi1> to vector<64x8192xi32>
    %convert_element_type3A_261 = arith.sitofp %convert_element_type3A_260 : vector<64x8192xi32> to vector<64x8192xf32>
    %reduce_sum3A_262 = arith.constant dense<0.000000e+00> : vector<64xf32>
    %reduce_sum3A_263 = vector.multi_reduction <add>, %convert_element_type3A_261, %reduce_sum3A_262 [1] : vector<64x8192xf32> to vector<64xf32>
    %broadcast_in_dim3A_264 = vector.shape_cast %reduce_sum3A_263 : vector<64xf32> to vector<64x1xf32>
    %min3A_265 = arith.minimumf %broadcast_in_dim3A_264, %sub3A_251 : vector<64x1xf32>
    %mul3A_266 = arith.mulf %min3A_265, %broadcast_in_dim3A_257 : vector<64x1xf32>
    %add3A_267 = arith.addf %add3A_250, %mul3A_266 : vector<64x1xf32>
    %sub3A_268 = arith.subf %sub3A_251, %min3A_265 : vector<64x1xf32>
    %jit3A_269 = arith.constant 2.000000e+09 : f32
    %broadcast_in_dim3A_270 = vector.broadcast %jit3A_269 : f32 to vector<64x8192xf32>
    %select_n3A_271 = arith.select %eq3A_259, %broadcast_in_dim3A_270, %select_n3A_254 : vector<64x8192xi1>, vector<64x8192xf32>
    %reduce_min3A_272 = arith.constant dense<0x7F800000> : vector<64xf32>
    %reduce_min3A_273 = vector.multi_reduction <minimumf>, %select_n3A_271, %reduce_min3A_272 [1] : vector<64x8192xf32> to vector<64xf32>
    %broadcast_in_dim3A_274 = vector.shape_cast %reduce_min3A_273 : vector<64xf32> to vector<64x1xf32>
    %eq3A_275 = vector.broadcast %broadcast_in_dim3A_274 : vector<64x1xf32> to vector<64x8192xf32>
    %eq3A_276 = arith.cmpf oeq, %select_n3A_271, %eq3A_275 : vector<64x8192xf32>
    %convert_element_type3A_277 = arith.extui %eq3A_276 : vector<64x8192xi1> to vector<64x8192xi32>
    %convert_element_type3A_278 = arith.sitofp %convert_element_type3A_277 : vector<64x8192xi32> to vector<64x8192xf32>
    %reduce_sum3A_279 = arith.constant dense<0.000000e+00> : vector<64xf32>
    %reduce_sum3A_280 = vector.multi_reduction <add>, %convert_element_type3A_278, %reduce_sum3A_279 [1] : vector<64x8192xf32> to vector<64xf32>
    %broadcast_in_dim3A_281 = vector.shape_cast %reduce_sum3A_280 : vector<64xf32> to vector<64x1xf32>
    %min3A_282 = arith.minimumf %broadcast_in_dim3A_281, %sub3A_268 : vector<64x1xf32>
    %mul3A_283 = arith.mulf %min3A_282, %broadcast_in_dim3A_274 : vector<64x1xf32>
    %add3A_284 = arith.addf %add3A_267, %mul3A_283 : vector<64x1xf32>
    %sub3A_285 = arith.subf %sub3A_268, %min3A_282 : vector<64x1xf32>
    %jit3A_286 = arith.constant 2.000000e+09 : f32
    %broadcast_in_dim3A_287 = vector.broadcast %jit3A_286 : f32 to vector<64x8192xf32>
    %select_n3A_288 = arith.select %eq3A_276, %broadcast_in_dim3A_287, %select_n3A_271 : vector<64x8192xi1>, vector<64x8192xf32>
    %reduce_min3A_289 = arith.constant dense<0x7F800000> : vector<64xf32>
    %reduce_min3A_290 = vector.multi_reduction <minimumf>, %select_n3A_288, %reduce_min3A_289 [1] : vector<64x8192xf32> to vector<64xf32>
    %broadcast_in_dim3A_291 = vector.shape_cast %reduce_min3A_290 : vector<64xf32> to vector<64x1xf32>
    %eq3A_292 = vector.broadcast %broadcast_in_dim3A_291 : vector<64x1xf32> to vector<64x8192xf32>
    %eq3A_293 = arith.cmpf oeq, %select_n3A_288, %eq3A_292 : vector<64x8192xf32>
    %convert_element_type3A_294 = arith.extui %eq3A_293 : vector<64x8192xi1> to vector<64x8192xi32>
    %convert_element_type3A_295 = arith.sitofp %convert_element_type3A_294 : vector<64x8192xi32> to vector<64x8192xf32>
    %reduce_sum3A_296 = arith.constant dense<0.000000e+00> : vector<64xf32>
    %reduce_sum3A_297 = vector.multi_reduction <add>, %convert_element_type3A_295, %reduce_sum3A_296 [1] : vector<64x8192xf32> to vector<64xf32>
    %broadcast_in_dim3A_298 = vector.shape_cast %reduce_sum3A_297 : vector<64xf32> to vector<64x1xf32>
    %min3A_299 = arith.minimumf %broadcast_in_dim3A_298, %sub3A_285 : vector<64x1xf32>
    %mul3A_300 = arith.mulf %min3A_299, %broadcast_in_dim3A_291 : vector<64x1xf32>
    %add3A_301 = arith.addf %add3A_284, %mul3A_300 : vector<64x1xf32>
    %max3A_302 = arith.constant 1.000000e+00 : f32
    %max3A_303 = vector.broadcast %max3A_302 : f32 to vector<1x1xf32>
    %max3A_304 = arith.maximumf %min3A_209, %max3A_303 : vector<1x1xf32>
    %div3A_305 = vector.broadcast %max3A_304 : vector<1x1xf32> to vector<64x1xf32>
    %div3A_306 = arith.divf %add3A_301, %div3A_305 : vector<64x1xf32>
    %eq3A_307 = arith.constant 2 : i32
    %eq3A_308 = vector.broadcast %eq3A_307 : i32 to vector<1x8192xi32>
    %eq3A_309 = arith.cmpi eq, %get3A_25, %eq3A_308 : vector<1x8192xi32>
    %convert_element_type3A_310 = arith.extui %eq3A_309 : vector<1x8192xi1> to vector<1x8192xi32>
    %convert_element_type3A_311 = arith.sitofp %convert_element_type3A_310 : vector<1x8192xi32> to vector<1x8192xf32>
    %reduce_sum3A_312 = arith.constant dense<0.000000e+00> : vector<1xf32>
    %reduce_sum3A_313 = vector.multi_reduction <add>, %convert_element_type3A_311, %reduce_sum3A_312 [1] : vector<1x8192xf32> to vector<1xf32>
    %broadcast_in_dim3A_314 = vector.shape_cast %reduce_sum3A_313 : vector<1xf32> to vector<1x1xf32>
    %min3A_315 = arith.constant 5.000000e+00 : f32
    %min3A_316 = vector.broadcast %min3A_315 : f32 to vector<1x1xf32>
    %min3A_317 = arith.minimumf %min3A_316, %broadcast_in_dim3A_314 : vector<1x1xf32>
    %jit3A_318 = arith.constant 1.000000e+09 : f32
    %broadcast_in_dim3A_319 = vector.shape_cast %eq3A_309 : vector<1x8192xi1> to vector<1x8192xi1>
    %broadcast_in_dim3A_320 = vector.broadcast %broadcast_in_dim3A_319 : vector<1x8192xi1> to vector<64x8192xi1>
    %broadcast_in_dim3A_321 = vector.broadcast %jit3A_318 : f32 to vector<64x8192xf32>
    %select_n3A_322 = arith.select %broadcast_in_dim3A_320, %max3A_92, %broadcast_in_dim3A_321 : vector<64x8192xi1>, vector<64x8192xf32>
    %broadcast_in_dim3A_323 = arith.constant 0.000000e+00 : f32
    %broadcast_in_dim3A_324 = vector.broadcast %broadcast_in_dim3A_323 : f32 to vector<64x1xf32>
    %broadcast_in_dim3A_325 = arith.constant 0.000000e+00 : f32
    %broadcast_in_dim3A_326 = vector.broadcast %broadcast_in_dim3A_325 : f32 to vector<64x1xf32>
    %add3A_327 = vector.broadcast %min3A_317 : vector<1x1xf32> to vector<64x1xf32>
    %add3A_328 = arith.addf %add3A_327, %broadcast_in_dim3A_326 : vector<64x1xf32>
    %reduce_min3A_329 = arith.constant dense<0x7F800000> : vector<64xf32>
    %reduce_min3A_330 = vector.multi_reduction <minimumf>, %select_n3A_322, %reduce_min3A_329 [1] : vector<64x8192xf32> to vector<64xf32>
    %broadcast_in_dim3A_331 = vector.shape_cast %reduce_min3A_330 : vector<64xf32> to vector<64x1xf32>
    %eq3A_332 = vector.broadcast %broadcast_in_dim3A_331 : vector<64x1xf32> to vector<64x8192xf32>
    %eq3A_333 = arith.cmpf oeq, %select_n3A_322, %eq3A_332 : vector<64x8192xf32>
    %convert_element_type3A_334 = arith.extui %eq3A_333 : vector<64x8192xi1> to vector<64x8192xi32>
    %convert_element_type3A_335 = arith.sitofp %convert_element_type3A_334 : vector<64x8192xi32> to vector<64x8192xf32>
    %reduce_sum3A_336 = arith.constant dense<0.000000e+00> : vector<64xf32>
    %reduce_sum3A_337 = vector.multi_reduction <add>, %convert_element_type3A_335, %reduce_sum3A_336 [1] : vector<64x8192xf32> to vector<64xf32>
    %broadcast_in_dim3A_338 = vector.shape_cast %reduce_sum3A_337 : vector<64xf32> to vector<64x1xf32>
    %min3A_339 = arith.minimumf %broadcast_in_dim3A_338, %add3A_328 : vector<64x1xf32>
    %mul3A_340 = arith.mulf %min3A_339, %broadcast_in_dim3A_331 : vector<64x1xf32>
    %add3A_341 = arith.addf %broadcast_in_dim3A_324, %mul3A_340 : vector<64x1xf32>
    %sub3A_342 = arith.subf %add3A_328, %min3A_339 : vector<64x1xf32>
    %jit3A_343 = arith.constant 2.000000e+09 : f32
    %broadcast_in_dim3A_344 = vector.broadcast %jit3A_343 : f32 to vector<64x8192xf32>
    %select_n3A_345 = arith.select %eq3A_333, %broadcast_in_dim3A_344, %select_n3A_322 : vector<64x8192xi1>, vector<64x8192xf32>
    %reduce_min3A_346 = arith.constant dense<0x7F800000> : vector<64xf32>
    %reduce_min3A_347 = vector.multi_reduction <minimumf>, %select_n3A_345, %reduce_min3A_346 [1] : vector<64x8192xf32> to vector<64xf32>
    %broadcast_in_dim3A_348 = vector.shape_cast %reduce_min3A_347 : vector<64xf32> to vector<64x1xf32>
    %eq3A_349 = vector.broadcast %broadcast_in_dim3A_348 : vector<64x1xf32> to vector<64x8192xf32>
    %eq3A_350 = arith.cmpf oeq, %select_n3A_345, %eq3A_349 : vector<64x8192xf32>
    %convert_element_type3A_351 = arith.extui %eq3A_350 : vector<64x8192xi1> to vector<64x8192xi32>
    %convert_element_type3A_352 = arith.sitofp %convert_element_type3A_351 : vector<64x8192xi32> to vector<64x8192xf32>
    %reduce_sum3A_353 = arith.constant dense<0.000000e+00> : vector<64xf32>
    %reduce_sum3A_354 = vector.multi_reduction <add>, %convert_element_type3A_352, %reduce_sum3A_353 [1] : vector<64x8192xf32> to vector<64xf32>
    %broadcast_in_dim3A_355 = vector.shape_cast %reduce_sum3A_354 : vector<64xf32> to vector<64x1xf32>
    %min3A_356 = arith.minimumf %broadcast_in_dim3A_355, %sub3A_342 : vector<64x1xf32>
    %mul3A_357 = arith.mulf %min3A_356, %broadcast_in_dim3A_348 : vector<64x1xf32>
    %add3A_358 = arith.addf %add3A_341, %mul3A_357 : vector<64x1xf32>
    %sub3A_359 = arith.subf %sub3A_342, %min3A_356 : vector<64x1xf32>
    %jit3A_360 = arith.constant 2.000000e+09 : f32
    %broadcast_in_dim3A_361 = vector.broadcast %jit3A_360 : f32 to vector<64x8192xf32>
    %select_n3A_362 = arith.select %eq3A_350, %broadcast_in_dim3A_361, %select_n3A_345 : vector<64x8192xi1>, vector<64x8192xf32>
    %reduce_min3A_363 = arith.constant dense<0x7F800000> : vector<64xf32>
    %reduce_min3A_364 = vector.multi_reduction <minimumf>, %select_n3A_362, %reduce_min3A_363 [1] : vector<64x8192xf32> to vector<64xf32>
    %broadcast_in_dim3A_365 = vector.shape_cast %reduce_min3A_364 : vector<64xf32> to vector<64x1xf32>
    %eq3A_366 = vector.broadcast %broadcast_in_dim3A_365 : vector<64x1xf32> to vector<64x8192xf32>
    %eq3A_367 = arith.cmpf oeq, %select_n3A_362, %eq3A_366 : vector<64x8192xf32>
    %convert_element_type3A_368 = arith.extui %eq3A_367 : vector<64x8192xi1> to vector<64x8192xi32>
    %convert_element_type3A_369 = arith.sitofp %convert_element_type3A_368 : vector<64x8192xi32> to vector<64x8192xf32>
    %reduce_sum3A_370 = arith.constant dense<0.000000e+00> : vector<64xf32>
    %reduce_sum3A_371 = vector.multi_reduction <add>, %convert_element_type3A_369, %reduce_sum3A_370 [1] : vector<64x8192xf32> to vector<64xf32>
    %broadcast_in_dim3A_372 = vector.shape_cast %reduce_sum3A_371 : vector<64xf32> to vector<64x1xf32>
    %min3A_373 = arith.minimumf %broadcast_in_dim3A_372, %sub3A_359 : vector<64x1xf32>
    %mul3A_374 = arith.mulf %min3A_373, %broadcast_in_dim3A_365 : vector<64x1xf32>
    %add3A_375 = arith.addf %add3A_358, %mul3A_374 : vector<64x1xf32>
    %sub3A_376 = arith.subf %sub3A_359, %min3A_373 : vector<64x1xf32>
    %jit3A_377 = arith.constant 2.000000e+09 : f32
    %broadcast_in_dim3A_378 = vector.broadcast %jit3A_377 : f32 to vector<64x8192xf32>
    %select_n3A_379 = arith.select %eq3A_367, %broadcast_in_dim3A_378, %select_n3A_362 : vector<64x8192xi1>, vector<64x8192xf32>
    %reduce_min3A_380 = arith.constant dense<0x7F800000> : vector<64xf32>
    %reduce_min3A_381 = vector.multi_reduction <minimumf>, %select_n3A_379, %reduce_min3A_380 [1] : vector<64x8192xf32> to vector<64xf32>
    %broadcast_in_dim3A_382 = vector.shape_cast %reduce_min3A_381 : vector<64xf32> to vector<64x1xf32>
    %eq3A_383 = vector.broadcast %broadcast_in_dim3A_382 : vector<64x1xf32> to vector<64x8192xf32>
    %eq3A_384 = arith.cmpf oeq, %select_n3A_379, %eq3A_383 : vector<64x8192xf32>
    %convert_element_type3A_385 = arith.extui %eq3A_384 : vector<64x8192xi1> to vector<64x8192xi32>
    %convert_element_type3A_386 = arith.sitofp %convert_element_type3A_385 : vector<64x8192xi32> to vector<64x8192xf32>
    %reduce_sum3A_387 = arith.constant dense<0.000000e+00> : vector<64xf32>
    %reduce_sum3A_388 = vector.multi_reduction <add>, %convert_element_type3A_386, %reduce_sum3A_387 [1] : vector<64x8192xf32> to vector<64xf32>
    %broadcast_in_dim3A_389 = vector.shape_cast %reduce_sum3A_388 : vector<64xf32> to vector<64x1xf32>
    %min3A_390 = arith.minimumf %broadcast_in_dim3A_389, %sub3A_376 : vector<64x1xf32>
    %mul3A_391 = arith.mulf %min3A_390, %broadcast_in_dim3A_382 : vector<64x1xf32>
    %add3A_392 = arith.addf %add3A_375, %mul3A_391 : vector<64x1xf32>
    %sub3A_393 = arith.subf %sub3A_376, %min3A_390 : vector<64x1xf32>
    %jit3A_394 = arith.constant 2.000000e+09 : f32
    %broadcast_in_dim3A_395 = vector.broadcast %jit3A_394 : f32 to vector<64x8192xf32>
    %select_n3A_396 = arith.select %eq3A_384, %broadcast_in_dim3A_395, %select_n3A_379 : vector<64x8192xi1>, vector<64x8192xf32>
    %reduce_min3A_397 = arith.constant dense<0x7F800000> : vector<64xf32>
    %reduce_min3A_398 = vector.multi_reduction <minimumf>, %select_n3A_396, %reduce_min3A_397 [1] : vector<64x8192xf32> to vector<64xf32>
    %broadcast_in_dim3A_399 = vector.shape_cast %reduce_min3A_398 : vector<64xf32> to vector<64x1xf32>
    %eq3A_400 = vector.broadcast %broadcast_in_dim3A_399 : vector<64x1xf32> to vector<64x8192xf32>
    %eq3A_401 = arith.cmpf oeq, %select_n3A_396, %eq3A_400 : vector<64x8192xf32>
    %convert_element_type3A_402 = arith.extui %eq3A_401 : vector<64x8192xi1> to vector<64x8192xi32>
    %convert_element_type3A_403 = arith.sitofp %convert_element_type3A_402 : vector<64x8192xi32> to vector<64x8192xf32>
    %reduce_sum3A_404 = arith.constant dense<0.000000e+00> : vector<64xf32>
    %reduce_sum3A_405 = vector.multi_reduction <add>, %convert_element_type3A_403, %reduce_sum3A_404 [1] : vector<64x8192xf32> to vector<64xf32>
    %broadcast_in_dim3A_406 = vector.shape_cast %reduce_sum3A_405 : vector<64xf32> to vector<64x1xf32>
    %min3A_407 = arith.minimumf %broadcast_in_dim3A_406, %sub3A_393 : vector<64x1xf32>
    %mul3A_408 = arith.mulf %min3A_407, %broadcast_in_dim3A_399 : vector<64x1xf32>
    %add3A_409 = arith.addf %add3A_392, %mul3A_408 : vector<64x1xf32>
    %max3A_410 = arith.constant 1.000000e+00 : f32
    %max3A_411 = vector.broadcast %max3A_410 : f32 to vector<1x1xf32>
    %max3A_412 = arith.maximumf %min3A_317, %max3A_411 : vector<1x1xf32>
    %div3A_413 = vector.broadcast %max3A_412 : vector<1x1xf32> to vector<64x1xf32>
    %div3A_414 = arith.divf %add3A_409, %div3A_413 : vector<64x1xf32>
    %eq3A_415 = arith.constant 3 : i32
    %eq3A_416 = vector.broadcast %eq3A_415 : i32 to vector<1x8192xi32>
    %eq3A_417 = arith.cmpi eq, %get3A_25, %eq3A_416 : vector<1x8192xi32>
    %convert_element_type3A_418 = arith.extui %eq3A_417 : vector<1x8192xi1> to vector<1x8192xi32>
    %convert_element_type3A_419 = arith.sitofp %convert_element_type3A_418 : vector<1x8192xi32> to vector<1x8192xf32>
    %reduce_sum3A_420 = arith.constant dense<0.000000e+00> : vector<1xf32>
    %reduce_sum3A_421 = vector.multi_reduction <add>, %convert_element_type3A_419, %reduce_sum3A_420 [1] : vector<1x8192xf32> to vector<1xf32>
    %broadcast_in_dim3A_422 = vector.shape_cast %reduce_sum3A_421 : vector<1xf32> to vector<1x1xf32>
    %min3A_423 = arith.constant 5.000000e+00 : f32
    %min3A_424 = vector.broadcast %min3A_423 : f32 to vector<1x1xf32>
    %min3A_425 = arith.minimumf %min3A_424, %broadcast_in_dim3A_422 : vector<1x1xf32>
    %jit3A_426 = arith.constant 1.000000e+09 : f32
    %broadcast_in_dim3A_427 = vector.shape_cast %eq3A_417 : vector<1x8192xi1> to vector<1x8192xi1>
    %broadcast_in_dim3A_428 = vector.broadcast %broadcast_in_dim3A_427 : vector<1x8192xi1> to vector<64x8192xi1>
    %broadcast_in_dim3A_429 = vector.broadcast %jit3A_426 : f32 to vector<64x8192xf32>
    %select_n3A_430 = arith.select %broadcast_in_dim3A_428, %max3A_92, %broadcast_in_dim3A_429 : vector<64x8192xi1>, vector<64x8192xf32>
    %broadcast_in_dim3A_431 = arith.constant 0.000000e+00 : f32
    %broadcast_in_dim3A_432 = vector.broadcast %broadcast_in_dim3A_431 : f32 to vector<64x1xf32>
    %broadcast_in_dim3A_433 = arith.constant 0.000000e+00 : f32
    %broadcast_in_dim3A_434 = vector.broadcast %broadcast_in_dim3A_433 : f32 to vector<64x1xf32>
    %add3A_435 = vector.broadcast %min3A_425 : vector<1x1xf32> to vector<64x1xf32>
    %add3A_436 = arith.addf %add3A_435, %broadcast_in_dim3A_434 : vector<64x1xf32>
    %reduce_min3A_437 = arith.constant dense<0x7F800000> : vector<64xf32>
    %reduce_min3A_438 = vector.multi_reduction <minimumf>, %select_n3A_430, %reduce_min3A_437 [1] : vector<64x8192xf32> to vector<64xf32>
    %broadcast_in_dim3A_439 = vector.shape_cast %reduce_min3A_438 : vector<64xf32> to vector<64x1xf32>
    %eq3A_440 = vector.broadcast %broadcast_in_dim3A_439 : vector<64x1xf32> to vector<64x8192xf32>
    %eq3A_441 = arith.cmpf oeq, %select_n3A_430, %eq3A_440 : vector<64x8192xf32>
    %convert_element_type3A_442 = arith.extui %eq3A_441 : vector<64x8192xi1> to vector<64x8192xi32>
    %convert_element_type3A_443 = arith.sitofp %convert_element_type3A_442 : vector<64x8192xi32> to vector<64x8192xf32>
    %reduce_sum3A_444 = arith.constant dense<0.000000e+00> : vector<64xf32>
    %reduce_sum3A_445 = vector.multi_reduction <add>, %convert_element_type3A_443, %reduce_sum3A_444 [1] : vector<64x8192xf32> to vector<64xf32>
    %broadcast_in_dim3A_446 = vector.shape_cast %reduce_sum3A_445 : vector<64xf32> to vector<64x1xf32>
    %min3A_447 = arith.minimumf %broadcast_in_dim3A_446, %add3A_436 : vector<64x1xf32>
    %mul3A_448 = arith.mulf %min3A_447, %broadcast_in_dim3A_439 : vector<64x1xf32>
    %add3A_449 = arith.addf %broadcast_in_dim3A_432, %mul3A_448 : vector<64x1xf32>
    %sub3A_450 = arith.subf %add3A_436, %min3A_447 : vector<64x1xf32>
    %jit3A_451 = arith.constant 2.000000e+09 : f32
    %broadcast_in_dim3A_452 = vector.broadcast %jit3A_451 : f32 to vector<64x8192xf32>
    %select_n3A_453 = arith.select %eq3A_441, %broadcast_in_dim3A_452, %select_n3A_430 : vector<64x8192xi1>, vector<64x8192xf32>
    %reduce_min3A_454 = arith.constant dense<0x7F800000> : vector<64xf32>
    %reduce_min3A_455 = vector.multi_reduction <minimumf>, %select_n3A_453, %reduce_min3A_454 [1] : vector<64x8192xf32> to vector<64xf32>
    %broadcast_in_dim3A_456 = vector.shape_cast %reduce_min3A_455 : vector<64xf32> to vector<64x1xf32>
    %eq3A_457 = vector.broadcast %broadcast_in_dim3A_456 : vector<64x1xf32> to vector<64x8192xf32>
    %eq3A_458 = arith.cmpf oeq, %select_n3A_453, %eq3A_457 : vector<64x8192xf32>
    %convert_element_type3A_459 = arith.extui %eq3A_458 : vector<64x8192xi1> to vector<64x8192xi32>
    %convert_element_type3A_460 = arith.sitofp %convert_element_type3A_459 : vector<64x8192xi32> to vector<64x8192xf32>
    %reduce_sum3A_461 = arith.constant dense<0.000000e+00> : vector<64xf32>
    %reduce_sum3A_462 = vector.multi_reduction <add>, %convert_element_type3A_460, %reduce_sum3A_461 [1] : vector<64x8192xf32> to vector<64xf32>
    %broadcast_in_dim3A_463 = vector.shape_cast %reduce_sum3A_462 : vector<64xf32> to vector<64x1xf32>
    %min3A_464 = arith.minimumf %broadcast_in_dim3A_463, %sub3A_450 : vector<64x1xf32>
    %mul3A_465 = arith.mulf %min3A_464, %broadcast_in_dim3A_456 : vector<64x1xf32>
    %add3A_466 = arith.addf %add3A_449, %mul3A_465 : vector<64x1xf32>
    %sub3A_467 = arith.subf %sub3A_450, %min3A_464 : vector<64x1xf32>
    %jit3A_468 = arith.constant 2.000000e+09 : f32
    %broadcast_in_dim3A_469 = vector.broadcast %jit3A_468 : f32 to vector<64x8192xf32>
    %select_n3A_470 = arith.select %eq3A_458, %broadcast_in_dim3A_469, %select_n3A_453 : vector<64x8192xi1>, vector<64x8192xf32>
    %reduce_min3A_471 = arith.constant dense<0x7F800000> : vector<64xf32>
    %reduce_min3A_472 = vector.multi_reduction <minimumf>, %select_n3A_470, %reduce_min3A_471 [1] : vector<64x8192xf32> to vector<64xf32>
    %broadcast_in_dim3A_473 = vector.shape_cast %reduce_min3A_472 : vector<64xf32> to vector<64x1xf32>
    %eq3A_474 = vector.broadcast %broadcast_in_dim3A_473 : vector<64x1xf32> to vector<64x8192xf32>
    %eq3A_475 = arith.cmpf oeq, %select_n3A_470, %eq3A_474 : vector<64x8192xf32>
    %convert_element_type3A_476 = arith.extui %eq3A_475 : vector<64x8192xi1> to vector<64x8192xi32>
    %convert_element_type3A_477 = arith.sitofp %convert_element_type3A_476 : vector<64x8192xi32> to vector<64x8192xf32>
    %reduce_sum3A_478 = arith.constant dense<0.000000e+00> : vector<64xf32>
    %reduce_sum3A_479 = vector.multi_reduction <add>, %convert_element_type3A_477, %reduce_sum3A_478 [1] : vector<64x8192xf32> to vector<64xf32>
    %broadcast_in_dim3A_480 = vector.shape_cast %reduce_sum3A_479 : vector<64xf32> to vector<64x1xf32>
    %min3A_481 = arith.minimumf %broadcast_in_dim3A_480, %sub3A_467 : vector<64x1xf32>
    %mul3A_482 = arith.mulf %min3A_481, %broadcast_in_dim3A_473 : vector<64x1xf32>
    %add3A_483 = arith.addf %add3A_466, %mul3A_482 : vector<64x1xf32>
    %sub3A_484 = arith.subf %sub3A_467, %min3A_481 : vector<64x1xf32>
    %jit3A_485 = arith.constant 2.000000e+09 : f32
    %broadcast_in_dim3A_486 = vector.broadcast %jit3A_485 : f32 to vector<64x8192xf32>
    %select_n3A_487 = arith.select %eq3A_475, %broadcast_in_dim3A_486, %select_n3A_470 : vector<64x8192xi1>, vector<64x8192xf32>
    %reduce_min3A_488 = arith.constant dense<0x7F800000> : vector<64xf32>
    %reduce_min3A_489 = vector.multi_reduction <minimumf>, %select_n3A_487, %reduce_min3A_488 [1] : vector<64x8192xf32> to vector<64xf32>
    %broadcast_in_dim3A_490 = vector.shape_cast %reduce_min3A_489 : vector<64xf32> to vector<64x1xf32>
    %eq3A_491 = vector.broadcast %broadcast_in_dim3A_490 : vector<64x1xf32> to vector<64x8192xf32>
    %eq3A_492 = arith.cmpf oeq, %select_n3A_487, %eq3A_491 : vector<64x8192xf32>
    %convert_element_type3A_493 = arith.extui %eq3A_492 : vector<64x8192xi1> to vector<64x8192xi32>
    %convert_element_type3A_494 = arith.sitofp %convert_element_type3A_493 : vector<64x8192xi32> to vector<64x8192xf32>
    %reduce_sum3A_495 = arith.constant dense<0.000000e+00> : vector<64xf32>
    %reduce_sum3A_496 = vector.multi_reduction <add>, %convert_element_type3A_494, %reduce_sum3A_495 [1] : vector<64x8192xf32> to vector<64xf32>
    %broadcast_in_dim3A_497 = vector.shape_cast %reduce_sum3A_496 : vector<64xf32> to vector<64x1xf32>
    %min3A_498 = arith.minimumf %broadcast_in_dim3A_497, %sub3A_484 : vector<64x1xf32>
    %mul3A_499 = arith.mulf %min3A_498, %broadcast_in_dim3A_490 : vector<64x1xf32>
    %add3A_500 = arith.addf %add3A_483, %mul3A_499 : vector<64x1xf32>
    %sub3A_501 = arith.subf %sub3A_484, %min3A_498 : vector<64x1xf32>
    %jit3A_502 = arith.constant 2.000000e+09 : f32
    %broadcast_in_dim3A_503 = vector.broadcast %jit3A_502 : f32 to vector<64x8192xf32>
    %select_n3A_504 = arith.select %eq3A_492, %broadcast_in_dim3A_503, %select_n3A_487 : vector<64x8192xi1>, vector<64x8192xf32>
    %reduce_min3A_505 = arith.constant dense<0x7F800000> : vector<64xf32>
    %reduce_min3A_506 = vector.multi_reduction <minimumf>, %select_n3A_504, %reduce_min3A_505 [1] : vector<64x8192xf32> to vector<64xf32>
    %broadcast_in_dim3A_507 = vector.shape_cast %reduce_min3A_506 : vector<64xf32> to vector<64x1xf32>
    %eq3A_508 = vector.broadcast %broadcast_in_dim3A_507 : vector<64x1xf32> to vector<64x8192xf32>
    %eq3A_509 = arith.cmpf oeq, %select_n3A_504, %eq3A_508 : vector<64x8192xf32>
    %convert_element_type3A_510 = arith.extui %eq3A_509 : vector<64x8192xi1> to vector<64x8192xi32>
    %convert_element_type3A_511 = arith.sitofp %convert_element_type3A_510 : vector<64x8192xi32> to vector<64x8192xf32>
    %reduce_sum3A_512 = arith.constant dense<0.000000e+00> : vector<64xf32>
    %reduce_sum3A_513 = vector.multi_reduction <add>, %convert_element_type3A_511, %reduce_sum3A_512 [1] : vector<64x8192xf32> to vector<64xf32>
    %broadcast_in_dim3A_514 = vector.shape_cast %reduce_sum3A_513 : vector<64xf32> to vector<64x1xf32>
    %min3A_515 = arith.minimumf %broadcast_in_dim3A_514, %sub3A_501 : vector<64x1xf32>
    %mul3A_516 = arith.mulf %min3A_515, %broadcast_in_dim3A_507 : vector<64x1xf32>
    %add3A_517 = arith.addf %add3A_500, %mul3A_516 : vector<64x1xf32>
    %max3A_518 = arith.constant 1.000000e+00 : f32
    %max3A_519 = vector.broadcast %max3A_518 : f32 to vector<1x1xf32>
    %max3A_520 = arith.maximumf %min3A_425, %max3A_519 : vector<1x1xf32>
    %div3A_521 = vector.broadcast %max3A_520 : vector<1x1xf32> to vector<64x1xf32>
    %div3A_522 = arith.divf %add3A_517, %div3A_521 : vector<64x1xf32>
    %eq3A_523 = arith.constant 4 : i32
    %eq3A_524 = vector.broadcast %eq3A_523 : i32 to vector<1x8192xi32>
    %eq3A_525 = arith.cmpi eq, %get3A_25, %eq3A_524 : vector<1x8192xi32>
    %convert_element_type3A_526 = arith.extui %eq3A_525 : vector<1x8192xi1> to vector<1x8192xi32>
    %convert_element_type3A_527 = arith.sitofp %convert_element_type3A_526 : vector<1x8192xi32> to vector<1x8192xf32>
    %reduce_sum3A_528 = arith.constant dense<0.000000e+00> : vector<1xf32>
    %reduce_sum3A_529 = vector.multi_reduction <add>, %convert_element_type3A_527, %reduce_sum3A_528 [1] : vector<1x8192xf32> to vector<1xf32>
    %broadcast_in_dim3A_530 = vector.shape_cast %reduce_sum3A_529 : vector<1xf32> to vector<1x1xf32>
    %min3A_531 = arith.constant 5.000000e+00 : f32
    %min3A_532 = vector.broadcast %min3A_531 : f32 to vector<1x1xf32>
    %min3A_533 = arith.minimumf %min3A_532, %broadcast_in_dim3A_530 : vector<1x1xf32>
    %jit3A_534 = arith.constant 1.000000e+09 : f32
    %broadcast_in_dim3A_535 = vector.shape_cast %eq3A_525 : vector<1x8192xi1> to vector<1x8192xi1>
    %broadcast_in_dim3A_536 = vector.broadcast %broadcast_in_dim3A_535 : vector<1x8192xi1> to vector<64x8192xi1>
    %broadcast_in_dim3A_537 = vector.broadcast %jit3A_534 : f32 to vector<64x8192xf32>
    %select_n3A_538 = arith.select %broadcast_in_dim3A_536, %max3A_92, %broadcast_in_dim3A_537 : vector<64x8192xi1>, vector<64x8192xf32>
    %broadcast_in_dim3A_539 = arith.constant 0.000000e+00 : f32
    %broadcast_in_dim3A_540 = vector.broadcast %broadcast_in_dim3A_539 : f32 to vector<64x1xf32>
    %broadcast_in_dim3A_541 = arith.constant 0.000000e+00 : f32
    %broadcast_in_dim3A_542 = vector.broadcast %broadcast_in_dim3A_541 : f32 to vector<64x1xf32>
    %add3A_543 = vector.broadcast %min3A_533 : vector<1x1xf32> to vector<64x1xf32>
    %add3A_544 = arith.addf %add3A_543, %broadcast_in_dim3A_542 : vector<64x1xf32>
    %reduce_min3A_545 = arith.constant dense<0x7F800000> : vector<64xf32>
    %reduce_min3A_546 = vector.multi_reduction <minimumf>, %select_n3A_538, %reduce_min3A_545 [1] : vector<64x8192xf32> to vector<64xf32>
    %broadcast_in_dim3A_547 = vector.shape_cast %reduce_min3A_546 : vector<64xf32> to vector<64x1xf32>
    %eq3A_548 = vector.broadcast %broadcast_in_dim3A_547 : vector<64x1xf32> to vector<64x8192xf32>
    %eq3A_549 = arith.cmpf oeq, %select_n3A_538, %eq3A_548 : vector<64x8192xf32>
    %convert_element_type3A_550 = arith.extui %eq3A_549 : vector<64x8192xi1> to vector<64x8192xi32>
    %convert_element_type3A_551 = arith.sitofp %convert_element_type3A_550 : vector<64x8192xi32> to vector<64x8192xf32>
    %reduce_sum3A_552 = arith.constant dense<0.000000e+00> : vector<64xf32>
    %reduce_sum3A_553 = vector.multi_reduction <add>, %convert_element_type3A_551, %reduce_sum3A_552 [1] : vector<64x8192xf32> to vector<64xf32>
    %broadcast_in_dim3A_554 = vector.shape_cast %reduce_sum3A_553 : vector<64xf32> to vector<64x1xf32>
    %min3A_555 = arith.minimumf %broadcast_in_dim3A_554, %add3A_544 : vector<64x1xf32>
    %mul3A_556 = arith.mulf %min3A_555, %broadcast_in_dim3A_547 : vector<64x1xf32>
    %add3A_557 = arith.addf %broadcast_in_dim3A_540, %mul3A_556 : vector<64x1xf32>
    %sub3A_558 = arith.subf %add3A_544, %min3A_555 : vector<64x1xf32>
    %jit3A_559 = arith.constant 2.000000e+09 : f32
    %broadcast_in_dim3A_560 = vector.broadcast %jit3A_559 : f32 to vector<64x8192xf32>
    %select_n3A_561 = arith.select %eq3A_549, %broadcast_in_dim3A_560, %select_n3A_538 : vector<64x8192xi1>, vector<64x8192xf32>
    %reduce_min3A_562 = arith.constant dense<0x7F800000> : vector<64xf32>
    %reduce_min3A_563 = vector.multi_reduction <minimumf>, %select_n3A_561, %reduce_min3A_562 [1] : vector<64x8192xf32> to vector<64xf32>
    %broadcast_in_dim3A_564 = vector.shape_cast %reduce_min3A_563 : vector<64xf32> to vector<64x1xf32>
    %eq3A_565 = vector.broadcast %broadcast_in_dim3A_564 : vector<64x1xf32> to vector<64x8192xf32>
    %eq3A_566 = arith.cmpf oeq, %select_n3A_561, %eq3A_565 : vector<64x8192xf32>
    %convert_element_type3A_567 = arith.extui %eq3A_566 : vector<64x8192xi1> to vector<64x8192xi32>
    %convert_element_type3A_568 = arith.sitofp %convert_element_type3A_567 : vector<64x8192xi32> to vector<64x8192xf32>
    %reduce_sum3A_569 = arith.constant dense<0.000000e+00> : vector<64xf32>
    %reduce_sum3A_570 = vector.multi_reduction <add>, %convert_element_type3A_568, %reduce_sum3A_569 [1] : vector<64x8192xf32> to vector<64xf32>
    %broadcast_in_dim3A_571 = vector.shape_cast %reduce_sum3A_570 : vector<64xf32> to vector<64x1xf32>
    %min3A_572 = arith.minimumf %broadcast_in_dim3A_571, %sub3A_558 : vector<64x1xf32>
    %mul3A_573 = arith.mulf %min3A_572, %broadcast_in_dim3A_564 : vector<64x1xf32>
    %add3A_574 = arith.addf %add3A_557, %mul3A_573 : vector<64x1xf32>
    %sub3A_575 = arith.subf %sub3A_558, %min3A_572 : vector<64x1xf32>
    %jit3A_576 = arith.constant 2.000000e+09 : f32
    %broadcast_in_dim3A_577 = vector.broadcast %jit3A_576 : f32 to vector<64x8192xf32>
    %select_n3A_578 = arith.select %eq3A_566, %broadcast_in_dim3A_577, %select_n3A_561 : vector<64x8192xi1>, vector<64x8192xf32>
    %reduce_min3A_579 = arith.constant dense<0x7F800000> : vector<64xf32>
    %reduce_min3A_580 = vector.multi_reduction <minimumf>, %select_n3A_578, %reduce_min3A_579 [1] : vector<64x8192xf32> to vector<64xf32>
    %broadcast_in_dim3A_581 = vector.shape_cast %reduce_min3A_580 : vector<64xf32> to vector<64x1xf32>
    %eq3A_582 = vector.broadcast %broadcast_in_dim3A_581 : vector<64x1xf32> to vector<64x8192xf32>
    %eq3A_583 = arith.cmpf oeq, %select_n3A_578, %eq3A_582 : vector<64x8192xf32>
    %convert_element_type3A_584 = arith.extui %eq3A_583 : vector<64x8192xi1> to vector<64x8192xi32>
    %convert_element_type3A_585 = arith.sitofp %convert_element_type3A_584 : vector<64x8192xi32> to vector<64x8192xf32>
    %reduce_sum3A_586 = arith.constant dense<0.000000e+00> : vector<64xf32>
    %reduce_sum3A_587 = vector.multi_reduction <add>, %convert_element_type3A_585, %reduce_sum3A_586 [1] : vector<64x8192xf32> to vector<64xf32>
    %broadcast_in_dim3A_588 = vector.shape_cast %reduce_sum3A_587 : vector<64xf32> to vector<64x1xf32>
    %min3A_589 = arith.minimumf %broadcast_in_dim3A_588, %sub3A_575 : vector<64x1xf32>
    %mul3A_590 = arith.mulf %min3A_589, %broadcast_in_dim3A_581 : vector<64x1xf32>
    %add3A_591 = arith.addf %add3A_574, %mul3A_590 : vector<64x1xf32>
    %sub3A_592 = arith.subf %sub3A_575, %min3A_589 : vector<64x1xf32>
    %jit3A_593 = arith.constant 2.000000e+09 : f32
    %broadcast_in_dim3A_594 = vector.broadcast %jit3A_593 : f32 to vector<64x8192xf32>
    %select_n3A_595 = arith.select %eq3A_583, %broadcast_in_dim3A_594, %select_n3A_578 : vector<64x8192xi1>, vector<64x8192xf32>
    %reduce_min3A_596 = arith.constant dense<0x7F800000> : vector<64xf32>
    %reduce_min3A_597 = vector.multi_reduction <minimumf>, %select_n3A_595, %reduce_min3A_596 [1] : vector<64x8192xf32> to vector<64xf32>
    %broadcast_in_dim3A_598 = vector.shape_cast %reduce_min3A_597 : vector<64xf32> to vector<64x1xf32>
    %eq3A_599 = vector.broadcast %broadcast_in_dim3A_598 : vector<64x1xf32> to vector<64x8192xf32>
    %eq3A_600 = arith.cmpf oeq, %select_n3A_595, %eq3A_599 : vector<64x8192xf32>
    %convert_element_type3A_601 = arith.extui %eq3A_600 : vector<64x8192xi1> to vector<64x8192xi32>
    %convert_element_type3A_602 = arith.sitofp %convert_element_type3A_601 : vector<64x8192xi32> to vector<64x8192xf32>
    %reduce_sum3A_603 = arith.constant dense<0.000000e+00> : vector<64xf32>
    %reduce_sum3A_604 = vector.multi_reduction <add>, %convert_element_type3A_602, %reduce_sum3A_603 [1] : vector<64x8192xf32> to vector<64xf32>
    %broadcast_in_dim3A_605 = vector.shape_cast %reduce_sum3A_604 : vector<64xf32> to vector<64x1xf32>
    %min3A_606 = arith.minimumf %broadcast_in_dim3A_605, %sub3A_592 : vector<64x1xf32>
    %mul3A_607 = arith.mulf %min3A_606, %broadcast_in_dim3A_598 : vector<64x1xf32>
    %add3A_608 = arith.addf %add3A_591, %mul3A_607 : vector<64x1xf32>
    %sub3A_609 = arith.subf %sub3A_592, %min3A_606 : vector<64x1xf32>
    %jit3A_610 = arith.constant 2.000000e+09 : f32
    %broadcast_in_dim3A_611 = vector.broadcast %jit3A_610 : f32 to vector<64x8192xf32>
    %select_n3A_612 = arith.select %eq3A_600, %broadcast_in_dim3A_611, %select_n3A_595 : vector<64x8192xi1>, vector<64x8192xf32>
    %reduce_min3A_613 = arith.constant dense<0x7F800000> : vector<64xf32>
    %reduce_min3A_614 = vector.multi_reduction <minimumf>, %select_n3A_612, %reduce_min3A_613 [1] : vector<64x8192xf32> to vector<64xf32>
    %broadcast_in_dim3A_615 = vector.shape_cast %reduce_min3A_614 : vector<64xf32> to vector<64x1xf32>
    %eq3A_616 = vector.broadcast %broadcast_in_dim3A_615 : vector<64x1xf32> to vector<64x8192xf32>
    %eq3A_617 = arith.cmpf oeq, %select_n3A_612, %eq3A_616 : vector<64x8192xf32>
    %convert_element_type3A_618 = arith.extui %eq3A_617 : vector<64x8192xi1> to vector<64x8192xi32>
    %convert_element_type3A_619 = arith.sitofp %convert_element_type3A_618 : vector<64x8192xi32> to vector<64x8192xf32>
    %reduce_sum3A_620 = arith.constant dense<0.000000e+00> : vector<64xf32>
    %reduce_sum3A_621 = vector.multi_reduction <add>, %convert_element_type3A_619, %reduce_sum3A_620 [1] : vector<64x8192xf32> to vector<64xf32>
    %broadcast_in_dim3A_622 = vector.shape_cast %reduce_sum3A_621 : vector<64xf32> to vector<64x1xf32>
    %min3A_623 = arith.minimumf %broadcast_in_dim3A_622, %sub3A_609 : vector<64x1xf32>
    %mul3A_624 = arith.mulf %min3A_623, %broadcast_in_dim3A_615 : vector<64x1xf32>
    %add3A_625 = arith.addf %add3A_608, %mul3A_624 : vector<64x1xf32>
    %max3A_626 = arith.constant 1.000000e+00 : f32
    %max3A_627 = vector.broadcast %max3A_626 : f32 to vector<1x1xf32>
    %max3A_628 = arith.maximumf %min3A_533, %max3A_627 : vector<1x1xf32>
    %div3A_629 = vector.broadcast %max3A_628 : vector<1x1xf32> to vector<64x1xf32>
    %div3A_630 = arith.divf %add3A_625, %div3A_629 : vector<64x1xf32>
    %eq3A_631 = arith.constant 5 : i32
    %eq3A_632 = vector.broadcast %eq3A_631 : i32 to vector<1x8192xi32>
    %eq3A_633 = arith.cmpi eq, %get3A_25, %eq3A_632 : vector<1x8192xi32>
    %convert_element_type3A_634 = arith.extui %eq3A_633 : vector<1x8192xi1> to vector<1x8192xi32>
    %convert_element_type3A_635 = arith.sitofp %convert_element_type3A_634 : vector<1x8192xi32> to vector<1x8192xf32>
    %reduce_sum3A_636 = arith.constant dense<0.000000e+00> : vector<1xf32>
    %reduce_sum3A_637 = vector.multi_reduction <add>, %convert_element_type3A_635, %reduce_sum3A_636 [1] : vector<1x8192xf32> to vector<1xf32>
    %broadcast_in_dim3A_638 = vector.shape_cast %reduce_sum3A_637 : vector<1xf32> to vector<1x1xf32>
    %min3A_639 = arith.constant 5.000000e+00 : f32
    %min3A_640 = vector.broadcast %min3A_639 : f32 to vector<1x1xf32>
    %min3A_641 = arith.minimumf %min3A_640, %broadcast_in_dim3A_638 : vector<1x1xf32>
    %jit3A_642 = arith.constant 1.000000e+09 : f32
    %broadcast_in_dim3A_643 = vector.shape_cast %eq3A_633 : vector<1x8192xi1> to vector<1x8192xi1>
    %broadcast_in_dim3A_644 = vector.broadcast %broadcast_in_dim3A_643 : vector<1x8192xi1> to vector<64x8192xi1>
    %broadcast_in_dim3A_645 = vector.broadcast %jit3A_642 : f32 to vector<64x8192xf32>
    %select_n3A_646 = arith.select %broadcast_in_dim3A_644, %max3A_92, %broadcast_in_dim3A_645 : vector<64x8192xi1>, vector<64x8192xf32>
    %broadcast_in_dim3A_647 = arith.constant 0.000000e+00 : f32
    %broadcast_in_dim3A_648 = vector.broadcast %broadcast_in_dim3A_647 : f32 to vector<64x1xf32>
    %broadcast_in_dim3A_649 = arith.constant 0.000000e+00 : f32
    %broadcast_in_dim3A_650 = vector.broadcast %broadcast_in_dim3A_649 : f32 to vector<64x1xf32>
    %add3A_651 = vector.broadcast %min3A_641 : vector<1x1xf32> to vector<64x1xf32>
    %add3A_652 = arith.addf %add3A_651, %broadcast_in_dim3A_650 : vector<64x1xf32>
    %reduce_min3A_653 = arith.constant dense<0x7F800000> : vector<64xf32>
    %reduce_min3A_654 = vector.multi_reduction <minimumf>, %select_n3A_646, %reduce_min3A_653 [1] : vector<64x8192xf32> to vector<64xf32>
    %broadcast_in_dim3A_655 = vector.shape_cast %reduce_min3A_654 : vector<64xf32> to vector<64x1xf32>
    %eq3A_656 = vector.broadcast %broadcast_in_dim3A_655 : vector<64x1xf32> to vector<64x8192xf32>
    %eq3A_657 = arith.cmpf oeq, %select_n3A_646, %eq3A_656 : vector<64x8192xf32>
    %convert_element_type3A_658 = arith.extui %eq3A_657 : vector<64x8192xi1> to vector<64x8192xi32>
    %convert_element_type3A_659 = arith.sitofp %convert_element_type3A_658 : vector<64x8192xi32> to vector<64x8192xf32>
    %reduce_sum3A_660 = arith.constant dense<0.000000e+00> : vector<64xf32>
    %reduce_sum3A_661 = vector.multi_reduction <add>, %convert_element_type3A_659, %reduce_sum3A_660 [1] : vector<64x8192xf32> to vector<64xf32>
    %broadcast_in_dim3A_662 = vector.shape_cast %reduce_sum3A_661 : vector<64xf32> to vector<64x1xf32>
    %min3A_663 = arith.minimumf %broadcast_in_dim3A_662, %add3A_652 : vector<64x1xf32>
    %mul3A_664 = arith.mulf %min3A_663, %broadcast_in_dim3A_655 : vector<64x1xf32>
    %add3A_665 = arith.addf %broadcast_in_dim3A_648, %mul3A_664 : vector<64x1xf32>
    %sub3A_666 = arith.subf %add3A_652, %min3A_663 : vector<64x1xf32>
    %jit3A_667 = arith.constant 2.000000e+09 : f32
    %broadcast_in_dim3A_668 = vector.broadcast %jit3A_667 : f32 to vector<64x8192xf32>
    %select_n3A_669 = arith.select %eq3A_657, %broadcast_in_dim3A_668, %select_n3A_646 : vector<64x8192xi1>, vector<64x8192xf32>
    %reduce_min3A_670 = arith.constant dense<0x7F800000> : vector<64xf32>
    %reduce_min3A_671 = vector.multi_reduction <minimumf>, %select_n3A_669, %reduce_min3A_670 [1] : vector<64x8192xf32> to vector<64xf32>
    %broadcast_in_dim3A_672 = vector.shape_cast %reduce_min3A_671 : vector<64xf32> to vector<64x1xf32>
    %eq3A_673 = vector.broadcast %broadcast_in_dim3A_672 : vector<64x1xf32> to vector<64x8192xf32>
    %eq3A_674 = arith.cmpf oeq, %select_n3A_669, %eq3A_673 : vector<64x8192xf32>
    %convert_element_type3A_675 = arith.extui %eq3A_674 : vector<64x8192xi1> to vector<64x8192xi32>
    %convert_element_type3A_676 = arith.sitofp %convert_element_type3A_675 : vector<64x8192xi32> to vector<64x8192xf32>
    %reduce_sum3A_677 = arith.constant dense<0.000000e+00> : vector<64xf32>
    %reduce_sum3A_678 = vector.multi_reduction <add>, %convert_element_type3A_676, %reduce_sum3A_677 [1] : vector<64x8192xf32> to vector<64xf32>
    %broadcast_in_dim3A_679 = vector.shape_cast %reduce_sum3A_678 : vector<64xf32> to vector<64x1xf32>
    %min3A_680 = arith.minimumf %broadcast_in_dim3A_679, %sub3A_666 : vector<64x1xf32>
    %mul3A_681 = arith.mulf %min3A_680, %broadcast_in_dim3A_672 : vector<64x1xf32>
    %add3A_682 = arith.addf %add3A_665, %mul3A_681 : vector<64x1xf32>
    %sub3A_683 = arith.subf %sub3A_666, %min3A_680 : vector<64x1xf32>
    %jit3A_684 = arith.constant 2.000000e+09 : f32
    %broadcast_in_dim3A_685 = vector.broadcast %jit3A_684 : f32 to vector<64x8192xf32>
    %select_n3A_686 = arith.select %eq3A_674, %broadcast_in_dim3A_685, %select_n3A_669 : vector<64x8192xi1>, vector<64x8192xf32>
    %reduce_min3A_687 = arith.constant dense<0x7F800000> : vector<64xf32>
    %reduce_min3A_688 = vector.multi_reduction <minimumf>, %select_n3A_686, %reduce_min3A_687 [1] : vector<64x8192xf32> to vector<64xf32>
    %broadcast_in_dim3A_689 = vector.shape_cast %reduce_min3A_688 : vector<64xf32> to vector<64x1xf32>
    %eq3A_690 = vector.broadcast %broadcast_in_dim3A_689 : vector<64x1xf32> to vector<64x8192xf32>
    %eq3A_691 = arith.cmpf oeq, %select_n3A_686, %eq3A_690 : vector<64x8192xf32>
    %convert_element_type3A_692 = arith.extui %eq3A_691 : vector<64x8192xi1> to vector<64x8192xi32>
    %convert_element_type3A_693 = arith.sitofp %convert_element_type3A_692 : vector<64x8192xi32> to vector<64x8192xf32>
    %reduce_sum3A_694 = arith.constant dense<0.000000e+00> : vector<64xf32>
    %reduce_sum3A_695 = vector.multi_reduction <add>, %convert_element_type3A_693, %reduce_sum3A_694 [1] : vector<64x8192xf32> to vector<64xf32>
    %broadcast_in_dim3A_696 = vector.shape_cast %reduce_sum3A_695 : vector<64xf32> to vector<64x1xf32>
    %min3A_697 = arith.minimumf %broadcast_in_dim3A_696, %sub3A_683 : vector<64x1xf32>
    %mul3A_698 = arith.mulf %min3A_697, %broadcast_in_dim3A_689 : vector<64x1xf32>
    %add3A_699 = arith.addf %add3A_682, %mul3A_698 : vector<64x1xf32>
    %sub3A_700 = arith.subf %sub3A_683, %min3A_697 : vector<64x1xf32>
    %jit3A_701 = arith.constant 2.000000e+09 : f32
    %broadcast_in_dim3A_702 = vector.broadcast %jit3A_701 : f32 to vector<64x8192xf32>
    %select_n3A_703 = arith.select %eq3A_691, %broadcast_in_dim3A_702, %select_n3A_686 : vector<64x8192xi1>, vector<64x8192xf32>
    %reduce_min3A_704 = arith.constant dense<0x7F800000> : vector<64xf32>
    %reduce_min3A_705 = vector.multi_reduction <minimumf>, %select_n3A_703, %reduce_min3A_704 [1] : vector<64x8192xf32> to vector<64xf32>
    %broadcast_in_dim3A_706 = vector.shape_cast %reduce_min3A_705 : vector<64xf32> to vector<64x1xf32>
    %eq3A_707 = vector.broadcast %broadcast_in_dim3A_706 : vector<64x1xf32> to vector<64x8192xf32>
    %eq3A_708 = arith.cmpf oeq, %select_n3A_703, %eq3A_707 : vector<64x8192xf32>
    %convert_element_type3A_709 = arith.extui %eq3A_708 : vector<64x8192xi1> to vector<64x8192xi32>
    %convert_element_type3A_710 = arith.sitofp %convert_element_type3A_709 : vector<64x8192xi32> to vector<64x8192xf32>
    %reduce_sum3A_711 = arith.constant dense<0.000000e+00> : vector<64xf32>
    %reduce_sum3A_712 = vector.multi_reduction <add>, %convert_element_type3A_710, %reduce_sum3A_711 [1] : vector<64x8192xf32> to vector<64xf32>
    %broadcast_in_dim3A_713 = vector.shape_cast %reduce_sum3A_712 : vector<64xf32> to vector<64x1xf32>
    %min3A_714 = arith.minimumf %broadcast_in_dim3A_713, %sub3A_700 : vector<64x1xf32>
    %mul3A_715 = arith.mulf %min3A_714, %broadcast_in_dim3A_706 : vector<64x1xf32>
    %add3A_716 = arith.addf %add3A_699, %mul3A_715 : vector<64x1xf32>
    %sub3A_717 = arith.subf %sub3A_700, %min3A_714 : vector<64x1xf32>
    %jit3A_718 = arith.constant 2.000000e+09 : f32
    %broadcast_in_dim3A_719 = vector.broadcast %jit3A_718 : f32 to vector<64x8192xf32>
    %select_n3A_720 = arith.select %eq3A_708, %broadcast_in_dim3A_719, %select_n3A_703 : vector<64x8192xi1>, vector<64x8192xf32>
    %reduce_min3A_721 = arith.constant dense<0x7F800000> : vector<64xf32>
    %reduce_min3A_722 = vector.multi_reduction <minimumf>, %select_n3A_720, %reduce_min3A_721 [1] : vector<64x8192xf32> to vector<64xf32>
    %broadcast_in_dim3A_723 = vector.shape_cast %reduce_min3A_722 : vector<64xf32> to vector<64x1xf32>
    %eq3A_724 = vector.broadcast %broadcast_in_dim3A_723 : vector<64x1xf32> to vector<64x8192xf32>
    %eq3A_725 = arith.cmpf oeq, %select_n3A_720, %eq3A_724 : vector<64x8192xf32>
    %convert_element_type3A_726 = arith.extui %eq3A_725 : vector<64x8192xi1> to vector<64x8192xi32>
    %convert_element_type3A_727 = arith.sitofp %convert_element_type3A_726 : vector<64x8192xi32> to vector<64x8192xf32>
    %reduce_sum3A_728 = arith.constant dense<0.000000e+00> : vector<64xf32>
    %reduce_sum3A_729 = vector.multi_reduction <add>, %convert_element_type3A_727, %reduce_sum3A_728 [1] : vector<64x8192xf32> to vector<64xf32>
    %broadcast_in_dim3A_730 = vector.shape_cast %reduce_sum3A_729 : vector<64xf32> to vector<64x1xf32>
    %min3A_731 = arith.minimumf %broadcast_in_dim3A_730, %sub3A_717 : vector<64x1xf32>
    %mul3A_732 = arith.mulf %min3A_731, %broadcast_in_dim3A_723 : vector<64x1xf32>
    %add3A_733 = arith.addf %add3A_716, %mul3A_732 : vector<64x1xf32>
    %max3A_734 = arith.constant 1.000000e+00 : f32
    %max3A_735 = vector.broadcast %max3A_734 : f32 to vector<1x1xf32>
    %max3A_736 = arith.maximumf %min3A_641, %max3A_735 : vector<1x1xf32>
    %div3A_737 = vector.broadcast %max3A_736 : vector<1x1xf32> to vector<64x1xf32>
    %div3A_738 = arith.divf %add3A_733, %div3A_737 : vector<64x1xf32>
    %eq3A_739 = arith.constant 6 : i32
    %eq3A_740 = vector.broadcast %eq3A_739 : i32 to vector<1x8192xi32>
    %eq3A_741 = arith.cmpi eq, %get3A_25, %eq3A_740 : vector<1x8192xi32>
    %convert_element_type3A_742 = arith.extui %eq3A_741 : vector<1x8192xi1> to vector<1x8192xi32>
    %convert_element_type3A_743 = arith.sitofp %convert_element_type3A_742 : vector<1x8192xi32> to vector<1x8192xf32>
    %reduce_sum3A_744 = arith.constant dense<0.000000e+00> : vector<1xf32>
    %reduce_sum3A_745 = vector.multi_reduction <add>, %convert_element_type3A_743, %reduce_sum3A_744 [1] : vector<1x8192xf32> to vector<1xf32>
    %broadcast_in_dim3A_746 = vector.shape_cast %reduce_sum3A_745 : vector<1xf32> to vector<1x1xf32>
    %min3A_747 = arith.constant 5.000000e+00 : f32
    %min3A_748 = vector.broadcast %min3A_747 : f32 to vector<1x1xf32>
    %min3A_749 = arith.minimumf %min3A_748, %broadcast_in_dim3A_746 : vector<1x1xf32>
    %jit3A_750 = arith.constant 1.000000e+09 : f32
    %broadcast_in_dim3A_751 = vector.shape_cast %eq3A_741 : vector<1x8192xi1> to vector<1x8192xi1>
    %broadcast_in_dim3A_752 = vector.broadcast %broadcast_in_dim3A_751 : vector<1x8192xi1> to vector<64x8192xi1>
    %broadcast_in_dim3A_753 = vector.broadcast %jit3A_750 : f32 to vector<64x8192xf32>
    %select_n3A_754 = arith.select %broadcast_in_dim3A_752, %max3A_92, %broadcast_in_dim3A_753 : vector<64x8192xi1>, vector<64x8192xf32>
    %broadcast_in_dim3A_755 = arith.constant 0.000000e+00 : f32
    %broadcast_in_dim3A_756 = vector.broadcast %broadcast_in_dim3A_755 : f32 to vector<64x1xf32>
    %broadcast_in_dim3A_757 = arith.constant 0.000000e+00 : f32
    %broadcast_in_dim3A_758 = vector.broadcast %broadcast_in_dim3A_757 : f32 to vector<64x1xf32>
    %add3A_759 = vector.broadcast %min3A_749 : vector<1x1xf32> to vector<64x1xf32>
    %add3A_760 = arith.addf %add3A_759, %broadcast_in_dim3A_758 : vector<64x1xf32>
    %reduce_min3A_761 = arith.constant dense<0x7F800000> : vector<64xf32>
    %reduce_min3A_762 = vector.multi_reduction <minimumf>, %select_n3A_754, %reduce_min3A_761 [1] : vector<64x8192xf32> to vector<64xf32>
    %broadcast_in_dim3A_763 = vector.shape_cast %reduce_min3A_762 : vector<64xf32> to vector<64x1xf32>
    %eq3A_764 = vector.broadcast %broadcast_in_dim3A_763 : vector<64x1xf32> to vector<64x8192xf32>
    %eq3A_765 = arith.cmpf oeq, %select_n3A_754, %eq3A_764 : vector<64x8192xf32>
    %convert_element_type3A_766 = arith.extui %eq3A_765 : vector<64x8192xi1> to vector<64x8192xi32>
    %convert_element_type3A_767 = arith.sitofp %convert_element_type3A_766 : vector<64x8192xi32> to vector<64x8192xf32>
    %reduce_sum3A_768 = arith.constant dense<0.000000e+00> : vector<64xf32>
    %reduce_sum3A_769 = vector.multi_reduction <add>, %convert_element_type3A_767, %reduce_sum3A_768 [1] : vector<64x8192xf32> to vector<64xf32>
    %broadcast_in_dim3A_770 = vector.shape_cast %reduce_sum3A_769 : vector<64xf32> to vector<64x1xf32>
    %min3A_771 = arith.minimumf %broadcast_in_dim3A_770, %add3A_760 : vector<64x1xf32>
    %mul3A_772 = arith.mulf %min3A_771, %broadcast_in_dim3A_763 : vector<64x1xf32>
    %add3A_773 = arith.addf %broadcast_in_dim3A_756, %mul3A_772 : vector<64x1xf32>
    %sub3A_774 = arith.subf %add3A_760, %min3A_771 : vector<64x1xf32>
    %jit3A_775 = arith.constant 2.000000e+09 : f32
    %broadcast_in_dim3A_776 = vector.broadcast %jit3A_775 : f32 to vector<64x8192xf32>
    %select_n3A_777 = arith.select %eq3A_765, %broadcast_in_dim3A_776, %select_n3A_754 : vector<64x8192xi1>, vector<64x8192xf32>
    %reduce_min3A_778 = arith.constant dense<0x7F800000> : vector<64xf32>
    %reduce_min3A_779 = vector.multi_reduction <minimumf>, %select_n3A_777, %reduce_min3A_778 [1] : vector<64x8192xf32> to vector<64xf32>
    %broadcast_in_dim3A_780 = vector.shape_cast %reduce_min3A_779 : vector<64xf32> to vector<64x1xf32>
    %eq3A_781 = vector.broadcast %broadcast_in_dim3A_780 : vector<64x1xf32> to vector<64x8192xf32>
    %eq3A_782 = arith.cmpf oeq, %select_n3A_777, %eq3A_781 : vector<64x8192xf32>
    %convert_element_type3A_783 = arith.extui %eq3A_782 : vector<64x8192xi1> to vector<64x8192xi32>
    %convert_element_type3A_784 = arith.sitofp %convert_element_type3A_783 : vector<64x8192xi32> to vector<64x8192xf32>
    %reduce_sum3A_785 = arith.constant dense<0.000000e+00> : vector<64xf32>
    %reduce_sum3A_786 = vector.multi_reduction <add>, %convert_element_type3A_784, %reduce_sum3A_785 [1] : vector<64x8192xf32> to vector<64xf32>
    %broadcast_in_dim3A_787 = vector.shape_cast %reduce_sum3A_786 : vector<64xf32> to vector<64x1xf32>
    %min3A_788 = arith.minimumf %broadcast_in_dim3A_787, %sub3A_774 : vector<64x1xf32>
    %mul3A_789 = arith.mulf %min3A_788, %broadcast_in_dim3A_780 : vector<64x1xf32>
    %add3A_790 = arith.addf %add3A_773, %mul3A_789 : vector<64x1xf32>
    %sub3A_791 = arith.subf %sub3A_774, %min3A_788 : vector<64x1xf32>
    %jit3A_792 = arith.constant 2.000000e+09 : f32
    %broadcast_in_dim3A_793 = vector.broadcast %jit3A_792 : f32 to vector<64x8192xf32>
    %select_n3A_794 = arith.select %eq3A_782, %broadcast_in_dim3A_793, %select_n3A_777 : vector<64x8192xi1>, vector<64x8192xf32>
    %reduce_min3A_795 = arith.constant dense<0x7F800000> : vector<64xf32>
    %reduce_min3A_796 = vector.multi_reduction <minimumf>, %select_n3A_794, %reduce_min3A_795 [1] : vector<64x8192xf32> to vector<64xf32>
    %broadcast_in_dim3A_797 = vector.shape_cast %reduce_min3A_796 : vector<64xf32> to vector<64x1xf32>
    %eq3A_798 = vector.broadcast %broadcast_in_dim3A_797 : vector<64x1xf32> to vector<64x8192xf32>
    %eq3A_799 = arith.cmpf oeq, %select_n3A_794, %eq3A_798 : vector<64x8192xf32>
    %convert_element_type3A_800 = arith.extui %eq3A_799 : vector<64x8192xi1> to vector<64x8192xi32>
    %convert_element_type3A_801 = arith.sitofp %convert_element_type3A_800 : vector<64x8192xi32> to vector<64x8192xf32>
    %reduce_sum3A_802 = arith.constant dense<0.000000e+00> : vector<64xf32>
    %reduce_sum3A_803 = vector.multi_reduction <add>, %convert_element_type3A_801, %reduce_sum3A_802 [1] : vector<64x8192xf32> to vector<64xf32>
    %broadcast_in_dim3A_804 = vector.shape_cast %reduce_sum3A_803 : vector<64xf32> to vector<64x1xf32>
    %min3A_805 = arith.minimumf %broadcast_in_dim3A_804, %sub3A_791 : vector<64x1xf32>
    %mul3A_806 = arith.mulf %min3A_805, %broadcast_in_dim3A_797 : vector<64x1xf32>
    %add3A_807 = arith.addf %add3A_790, %mul3A_806 : vector<64x1xf32>
    %sub3A_808 = arith.subf %sub3A_791, %min3A_805 : vector<64x1xf32>
    %jit3A_809 = arith.constant 2.000000e+09 : f32
    %broadcast_in_dim3A_810 = vector.broadcast %jit3A_809 : f32 to vector<64x8192xf32>
    %select_n3A_811 = arith.select %eq3A_799, %broadcast_in_dim3A_810, %select_n3A_794 : vector<64x8192xi1>, vector<64x8192xf32>
    %reduce_min3A_812 = arith.constant dense<0x7F800000> : vector<64xf32>
    %reduce_min3A_813 = vector.multi_reduction <minimumf>, %select_n3A_811, %reduce_min3A_812 [1] : vector<64x8192xf32> to vector<64xf32>
    %broadcast_in_dim3A_814 = vector.shape_cast %reduce_min3A_813 : vector<64xf32> to vector<64x1xf32>
    %eq3A_815 = vector.broadcast %broadcast_in_dim3A_814 : vector<64x1xf32> to vector<64x8192xf32>
    %eq3A_816 = arith.cmpf oeq, %select_n3A_811, %eq3A_815 : vector<64x8192xf32>
    %convert_element_type3A_817 = arith.extui %eq3A_816 : vector<64x8192xi1> to vector<64x8192xi32>
    %convert_element_type3A_818 = arith.sitofp %convert_element_type3A_817 : vector<64x8192xi32> to vector<64x8192xf32>
    %reduce_sum3A_819 = arith.constant dense<0.000000e+00> : vector<64xf32>
    %reduce_sum3A_820 = vector.multi_reduction <add>, %convert_element_type3A_818, %reduce_sum3A_819 [1] : vector<64x8192xf32> to vector<64xf32>
    %broadcast_in_dim3A_821 = vector.shape_cast %reduce_sum3A_820 : vector<64xf32> to vector<64x1xf32>
    %min3A_822 = arith.minimumf %broadcast_in_dim3A_821, %sub3A_808 : vector<64x1xf32>
    %mul3A_823 = arith.mulf %min3A_822, %broadcast_in_dim3A_814 : vector<64x1xf32>
    %add3A_824 = arith.addf %add3A_807, %mul3A_823 : vector<64x1xf32>
    %sub3A_825 = arith.subf %sub3A_808, %min3A_822 : vector<64x1xf32>
    %jit3A_826 = arith.constant 2.000000e+09 : f32
    %broadcast_in_dim3A_827 = vector.broadcast %jit3A_826 : f32 to vector<64x8192xf32>
    %select_n3A_828 = arith.select %eq3A_816, %broadcast_in_dim3A_827, %select_n3A_811 : vector<64x8192xi1>, vector<64x8192xf32>
    %reduce_min3A_829 = arith.constant dense<0x7F800000> : vector<64xf32>
    %reduce_min3A_830 = vector.multi_reduction <minimumf>, %select_n3A_828, %reduce_min3A_829 [1] : vector<64x8192xf32> to vector<64xf32>
    %broadcast_in_dim3A_831 = vector.shape_cast %reduce_min3A_830 : vector<64xf32> to vector<64x1xf32>
    %eq3A_832 = vector.broadcast %broadcast_in_dim3A_831 : vector<64x1xf32> to vector<64x8192xf32>
    %eq3A_833 = arith.cmpf oeq, %select_n3A_828, %eq3A_832 : vector<64x8192xf32>
    %convert_element_type3A_834 = arith.extui %eq3A_833 : vector<64x8192xi1> to vector<64x8192xi32>
    %convert_element_type3A_835 = arith.sitofp %convert_element_type3A_834 : vector<64x8192xi32> to vector<64x8192xf32>
    %reduce_sum3A_836 = arith.constant dense<0.000000e+00> : vector<64xf32>
    %reduce_sum3A_837 = vector.multi_reduction <add>, %convert_element_type3A_835, %reduce_sum3A_836 [1] : vector<64x8192xf32> to vector<64xf32>
    %broadcast_in_dim3A_838 = vector.shape_cast %reduce_sum3A_837 : vector<64xf32> to vector<64x1xf32>
    %min3A_839 = arith.minimumf %broadcast_in_dim3A_838, %sub3A_825 : vector<64x1xf32>
    %mul3A_840 = arith.mulf %min3A_839, %broadcast_in_dim3A_831 : vector<64x1xf32>
    %add3A_841 = arith.addf %add3A_824, %mul3A_840 : vector<64x1xf32>
    %max3A_842 = arith.constant 1.000000e+00 : f32
    %max3A_843 = vector.broadcast %max3A_842 : f32 to vector<1x1xf32>
    %max3A_844 = arith.maximumf %min3A_749, %max3A_843 : vector<1x1xf32>
    %div3A_845 = vector.broadcast %max3A_844 : vector<1x1xf32> to vector<64x1xf32>
    %div3A_846 = arith.divf %add3A_841, %div3A_845 : vector<64x1xf32>
    %eq3A_847 = arith.constant 7 : i32
    %eq3A_848 = vector.broadcast %eq3A_847 : i32 to vector<1x8192xi32>
    %eq3A_849 = arith.cmpi eq, %get3A_25, %eq3A_848 : vector<1x8192xi32>
    %convert_element_type3A_850 = arith.extui %eq3A_849 : vector<1x8192xi1> to vector<1x8192xi32>
    %convert_element_type3A_851 = arith.sitofp %convert_element_type3A_850 : vector<1x8192xi32> to vector<1x8192xf32>
    %reduce_sum3A_852 = arith.constant dense<0.000000e+00> : vector<1xf32>
    %reduce_sum3A_853 = vector.multi_reduction <add>, %convert_element_type3A_851, %reduce_sum3A_852 [1] : vector<1x8192xf32> to vector<1xf32>
    %broadcast_in_dim3A_854 = vector.shape_cast %reduce_sum3A_853 : vector<1xf32> to vector<1x1xf32>
    %min3A_855 = arith.constant 5.000000e+00 : f32
    %min3A_856 = vector.broadcast %min3A_855 : f32 to vector<1x1xf32>
    %min3A_857 = arith.minimumf %min3A_856, %broadcast_in_dim3A_854 : vector<1x1xf32>
    %jit3A_858 = arith.constant 1.000000e+09 : f32
    %broadcast_in_dim3A_859 = vector.shape_cast %eq3A_849 : vector<1x8192xi1> to vector<1x8192xi1>
    %broadcast_in_dim3A_860 = vector.broadcast %broadcast_in_dim3A_859 : vector<1x8192xi1> to vector<64x8192xi1>
    %broadcast_in_dim3A_861 = vector.broadcast %jit3A_858 : f32 to vector<64x8192xf32>
    %select_n3A_862 = arith.select %broadcast_in_dim3A_860, %max3A_92, %broadcast_in_dim3A_861 : vector<64x8192xi1>, vector<64x8192xf32>
    %broadcast_in_dim3A_863 = arith.constant 0.000000e+00 : f32
    %broadcast_in_dim3A_864 = vector.broadcast %broadcast_in_dim3A_863 : f32 to vector<64x1xf32>
    %broadcast_in_dim3A_865 = arith.constant 0.000000e+00 : f32
    %broadcast_in_dim3A_866 = vector.broadcast %broadcast_in_dim3A_865 : f32 to vector<64x1xf32>
    %add3A_867 = vector.broadcast %min3A_857 : vector<1x1xf32> to vector<64x1xf32>
    %add3A_868 = arith.addf %add3A_867, %broadcast_in_dim3A_866 : vector<64x1xf32>
    %reduce_min3A_869 = arith.constant dense<0x7F800000> : vector<64xf32>
    %reduce_min3A_870 = vector.multi_reduction <minimumf>, %select_n3A_862, %reduce_min3A_869 [1] : vector<64x8192xf32> to vector<64xf32>
    %broadcast_in_dim3A_871 = vector.shape_cast %reduce_min3A_870 : vector<64xf32> to vector<64x1xf32>
    %eq3A_872 = vector.broadcast %broadcast_in_dim3A_871 : vector<64x1xf32> to vector<64x8192xf32>
    %eq3A_873 = arith.cmpf oeq, %select_n3A_862, %eq3A_872 : vector<64x8192xf32>
    %convert_element_type3A_874 = arith.extui %eq3A_873 : vector<64x8192xi1> to vector<64x8192xi32>
    %convert_element_type3A_875 = arith.sitofp %convert_element_type3A_874 : vector<64x8192xi32> to vector<64x8192xf32>
    %reduce_sum3A_876 = arith.constant dense<0.000000e+00> : vector<64xf32>
    %reduce_sum3A_877 = vector.multi_reduction <add>, %convert_element_type3A_875, %reduce_sum3A_876 [1] : vector<64x8192xf32> to vector<64xf32>
    %broadcast_in_dim3A_878 = vector.shape_cast %reduce_sum3A_877 : vector<64xf32> to vector<64x1xf32>
    %min3A_879 = arith.minimumf %broadcast_in_dim3A_878, %add3A_868 : vector<64x1xf32>
    %mul3A_880 = arith.mulf %min3A_879, %broadcast_in_dim3A_871 : vector<64x1xf32>
    %add3A_881 = arith.addf %broadcast_in_dim3A_864, %mul3A_880 : vector<64x1xf32>
    %sub3A_882 = arith.subf %add3A_868, %min3A_879 : vector<64x1xf32>
    %jit3A_883 = arith.constant 2.000000e+09 : f32
    %broadcast_in_dim3A_884 = vector.broadcast %jit3A_883 : f32 to vector<64x8192xf32>
    %select_n3A_885 = arith.select %eq3A_873, %broadcast_in_dim3A_884, %select_n3A_862 : vector<64x8192xi1>, vector<64x8192xf32>
    %reduce_min3A_886 = arith.constant dense<0x7F800000> : vector<64xf32>
    %reduce_min3A_887 = vector.multi_reduction <minimumf>, %select_n3A_885, %reduce_min3A_886 [1] : vector<64x8192xf32> to vector<64xf32>
    %broadcast_in_dim3A_888 = vector.shape_cast %reduce_min3A_887 : vector<64xf32> to vector<64x1xf32>
    %eq3A_889 = vector.broadcast %broadcast_in_dim3A_888 : vector<64x1xf32> to vector<64x8192xf32>
    %eq3A_890 = arith.cmpf oeq, %select_n3A_885, %eq3A_889 : vector<64x8192xf32>
    %convert_element_type3A_891 = arith.extui %eq3A_890 : vector<64x8192xi1> to vector<64x8192xi32>
    %convert_element_type3A_892 = arith.sitofp %convert_element_type3A_891 : vector<64x8192xi32> to vector<64x8192xf32>
    %reduce_sum3A_893 = arith.constant dense<0.000000e+00> : vector<64xf32>
    %reduce_sum3A_894 = vector.multi_reduction <add>, %convert_element_type3A_892, %reduce_sum3A_893 [1] : vector<64x8192xf32> to vector<64xf32>
    %broadcast_in_dim3A_895 = vector.shape_cast %reduce_sum3A_894 : vector<64xf32> to vector<64x1xf32>
    %min3A_896 = arith.minimumf %broadcast_in_dim3A_895, %sub3A_882 : vector<64x1xf32>
    %mul3A_897 = arith.mulf %min3A_896, %broadcast_in_dim3A_888 : vector<64x1xf32>
    %add3A_898 = arith.addf %add3A_881, %mul3A_897 : vector<64x1xf32>
    %sub3A_899 = arith.subf %sub3A_882, %min3A_896 : vector<64x1xf32>
    %jit3A_900 = arith.constant 2.000000e+09 : f32
    %broadcast_in_dim3A_901 = vector.broadcast %jit3A_900 : f32 to vector<64x8192xf32>
    %select_n3A_902 = arith.select %eq3A_890, %broadcast_in_dim3A_901, %select_n3A_885 : vector<64x8192xi1>, vector<64x8192xf32>
    %reduce_min3A_903 = arith.constant dense<0x7F800000> : vector<64xf32>
    %reduce_min3A_904 = vector.multi_reduction <minimumf>, %select_n3A_902, %reduce_min3A_903 [1] : vector<64x8192xf32> to vector<64xf32>
    %broadcast_in_dim3A_905 = vector.shape_cast %reduce_min3A_904 : vector<64xf32> to vector<64x1xf32>
    %eq3A_906 = vector.broadcast %broadcast_in_dim3A_905 : vector<64x1xf32> to vector<64x8192xf32>
    %eq3A_907 = arith.cmpf oeq, %select_n3A_902, %eq3A_906 : vector<64x8192xf32>
    %convert_element_type3A_908 = arith.extui %eq3A_907 : vector<64x8192xi1> to vector<64x8192xi32>
    %convert_element_type3A_909 = arith.sitofp %convert_element_type3A_908 : vector<64x8192xi32> to vector<64x8192xf32>
    %reduce_sum3A_910 = arith.constant dense<0.000000e+00> : vector<64xf32>
    %reduce_sum3A_911 = vector.multi_reduction <add>, %convert_element_type3A_909, %reduce_sum3A_910 [1] : vector<64x8192xf32> to vector<64xf32>
    %broadcast_in_dim3A_912 = vector.shape_cast %reduce_sum3A_911 : vector<64xf32> to vector<64x1xf32>
    %min3A_913 = arith.minimumf %broadcast_in_dim3A_912, %sub3A_899 : vector<64x1xf32>
    %mul3A_914 = arith.mulf %min3A_913, %broadcast_in_dim3A_905 : vector<64x1xf32>
    %add3A_915 = arith.addf %add3A_898, %mul3A_914 : vector<64x1xf32>
    %sub3A_916 = arith.subf %sub3A_899, %min3A_913 : vector<64x1xf32>
    %jit3A_917 = arith.constant 2.000000e+09 : f32
    %broadcast_in_dim3A_918 = vector.broadcast %jit3A_917 : f32 to vector<64x8192xf32>
    %select_n3A_919 = arith.select %eq3A_907, %broadcast_in_dim3A_918, %select_n3A_902 : vector<64x8192xi1>, vector<64x8192xf32>
    %reduce_min3A_920 = arith.constant dense<0x7F800000> : vector<64xf32>
    %reduce_min3A_921 = vector.multi_reduction <minimumf>, %select_n3A_919, %reduce_min3A_920 [1] : vector<64x8192xf32> to vector<64xf32>
    %broadcast_in_dim3A_922 = vector.shape_cast %reduce_min3A_921 : vector<64xf32> to vector<64x1xf32>
    %eq3A_923 = vector.broadcast %broadcast_in_dim3A_922 : vector<64x1xf32> to vector<64x8192xf32>
    %eq3A_924 = arith.cmpf oeq, %select_n3A_919, %eq3A_923 : vector<64x8192xf32>
    %convert_element_type3A_925 = arith.extui %eq3A_924 : vector<64x8192xi1> to vector<64x8192xi32>
    %convert_element_type3A_926 = arith.sitofp %convert_element_type3A_925 : vector<64x8192xi32> to vector<64x8192xf32>
    %reduce_sum3A_927 = arith.constant dense<0.000000e+00> : vector<64xf32>
    %reduce_sum3A_928 = vector.multi_reduction <add>, %convert_element_type3A_926, %reduce_sum3A_927 [1] : vector<64x8192xf32> to vector<64xf32>
    %broadcast_in_dim3A_929 = vector.shape_cast %reduce_sum3A_928 : vector<64xf32> to vector<64x1xf32>
    %min3A_930 = arith.minimumf %broadcast_in_dim3A_929, %sub3A_916 : vector<64x1xf32>
    %mul3A_931 = arith.mulf %min3A_930, %broadcast_in_dim3A_922 : vector<64x1xf32>
    %add3A_932 = arith.addf %add3A_915, %mul3A_931 : vector<64x1xf32>
    %sub3A_933 = arith.subf %sub3A_916, %min3A_930 : vector<64x1xf32>
    %jit3A_934 = arith.constant 2.000000e+09 : f32
    %broadcast_in_dim3A_935 = vector.broadcast %jit3A_934 : f32 to vector<64x8192xf32>
    %select_n3A_936 = arith.select %eq3A_924, %broadcast_in_dim3A_935, %select_n3A_919 : vector<64x8192xi1>, vector<64x8192xf32>
    %reduce_min3A_937 = arith.constant dense<0x7F800000> : vector<64xf32>
    %reduce_min3A_938 = vector.multi_reduction <minimumf>, %select_n3A_936, %reduce_min3A_937 [1] : vector<64x8192xf32> to vector<64xf32>
    %broadcast_in_dim3A_939 = vector.shape_cast %reduce_min3A_938 : vector<64xf32> to vector<64x1xf32>
    %eq3A_940 = vector.broadcast %broadcast_in_dim3A_939 : vector<64x1xf32> to vector<64x8192xf32>
    %eq3A_941 = arith.cmpf oeq, %select_n3A_936, %eq3A_940 : vector<64x8192xf32>
    %convert_element_type3A_942 = arith.extui %eq3A_941 : vector<64x8192xi1> to vector<64x8192xi32>
    %convert_element_type3A_943 = arith.sitofp %convert_element_type3A_942 : vector<64x8192xi32> to vector<64x8192xf32>
    %reduce_sum3A_944 = arith.constant dense<0.000000e+00> : vector<64xf32>
    %reduce_sum3A_945 = vector.multi_reduction <add>, %convert_element_type3A_943, %reduce_sum3A_944 [1] : vector<64x8192xf32> to vector<64xf32>
    %broadcast_in_dim3A_946 = vector.shape_cast %reduce_sum3A_945 : vector<64xf32> to vector<64x1xf32>
    %min3A_947 = arith.minimumf %broadcast_in_dim3A_946, %sub3A_933 : vector<64x1xf32>
    %mul3A_948 = arith.mulf %min3A_947, %broadcast_in_dim3A_939 : vector<64x1xf32>
    %add3A_949 = arith.addf %add3A_932, %mul3A_948 : vector<64x1xf32>
    %max3A_950 = arith.constant 1.000000e+00 : f32
    %max3A_951 = vector.broadcast %max3A_950 : f32 to vector<1x1xf32>
    %max3A_952 = arith.maximumf %min3A_857, %max3A_951 : vector<1x1xf32>
    %div3A_953 = vector.broadcast %max3A_952 : vector<1x1xf32> to vector<64x1xf32>
    %div3A_954 = arith.divf %add3A_949, %div3A_953 : vector<64x1xf32>
    %concatenate3A = tpu.concatenate %div3A_198, %div3A_306, %div3A_414, %div3A_522, %div3A_630, %div3A_738, %div3A_846, %div3A_954 in 1 : vector<64x1xf32>, vector<64x1xf32>, vector<64x1xf32>, vector<64x1xf32>, vector<64x1xf32>, vector<64x1xf32>, vector<64x1xf32>, vector<64x1xf32> -> vector<64x8xf32>
    %swap3A_955 = arith.constant 0 : index
    %swap3A_956 = arith.constant 0 : index
    %swap3A_957 = vector.load %arg8[%swap3A_955, %swap3A_956] : memref<64x8xf32, #tpu.memory_space<vmem>>, vector<64x8xf32>
    tpu.vector_store %arg8[%swap3A_955, %swap3A_956], %concatenate3A {strides = array<i32>} : memref<64x8xf32, #tpu.memory_space<vmem>>, vector<64x8xf32>,
    return
  }
}

</mosaic_0001>

<sc_bundles>
// kernel: gather_offload_async_start
scs
__scs_entry_jumppad:
0x0: {  	(pc) =	sbr.rel $0x88, $3  }
0x1: {  	(tag) =	ssettag $0x0;
	lr =	simm.s32 $0x1  }
0x2: {  	[smem:$0x3F9A] =	sst lr;
	_ =	strace $0xD0000000  }
0x3: {  	_ = 	snop  }
0x4: {  	_ = 	snop  }
0x5: {  	_ = 	snop  }
0x6: {  	_ = 	snop  }
0x7: {  	_ = 	snop  }
__scs_overlays_trampoline_lowered:
0x8: {  	[smem:$0x3FA9] =	sst s0  }
0x9: {  	[smem:$0x3FAA] =	sst s1  }
0xa: {  	[smem:$0x3FAB] =	sst s2  }
0xb: {  	[smem:$0x3FAC] =	sst s3  }
0xc: {  	[smem:$0x3FAD] =	sst s4  }
0xd: {  	[smem:$0x3FAE] =	sst s5  }
0xe: {  	[smem:$0x3FAF] =	sst s6  }
0xf: {  	[smem:$0x3FB0] =	sst s7  }
0x10: {  	[smem:$0x3FB1] =	sst s8  }
0x11: {  	[smem:$0x3FB2] =	sst s9;
	s0 =	simm.s32 @!p0 $0x0  }
0x12: {  	s1 =	sld [smem:$0x3F98];
	s0 =	simm.s32 @p0 $0x1  }
0x13: {  	[smem:$0x3FB3] =	sst s0;
	s0 =	simm.s32 @!p1 $0x0  }
0x14: {  	s2 =	sld [smem:$0x3F97];
	s0 =	simm.s32 @p1 $0x1  }
0x15: {  	[smem:$0x3FB4] =	sst s0;
	s0 =	simm.s32 @!p2 $0x0  }
0x16: {  	s3 =	sld [smem:$0x3FDB];
	s0 =	simm.s32 @p2 $0x1  }
0x17: {  	s4 =	simm.s32 $0x1BF5;
	[smem:$0x3FB6] =	sst s0  }
0x18: {  	s0 =	sld [smem:$0x3F99];
	_ =	swait.ge [sflag:s4], $0x0  }
0x19: {  	s7 =	sld [smem:$0x3F9A]  }
0x1a: {  	s8 =	sadd.s32 $0xFFFFE003, lr  }
0x1b: {  	s9 =	sadd.s32 $0xFFFFFEF7, lr;
	s5 =	simm.s32 $0xFFFFFFFF;
	p2 =	slt.u32 s8, $0xFFFFF086  }
0x1c: {  	p1 =	slt.u32 s9, $0xF7A;
	s5 =	simm.s32 @!p2 $0x0  }
0x1d: {  	s5 =	simm.s32 @p1 $0x1;
	p0 =	seq.s32 s7, s2  }
0x1e: {  	s7 =	smul.u32 @!p0 $0xF7A, s2;
	p2 =	seq.s32 @!p0 s5, $0x0  }
0x1f: {  	s9 =	smul.u32 $0xF7A, s1;
	s8 =	simm.s32 @!p0 $0x1BF5;
	p2 =	por !p2, p0  }
0x20: {  	[sflag:s8] =	ssyncset.s32 @!p0 $0xFFFFF086;
	s6 =	sadd.s32 @!p0 s3, s7;
	s7 =	simm.s32 @!p0 $0x108  }
0x21: {  	s3 =	sadd.s32 s3, s9;
	s6 =	sadd.s32 @!p0 $0x88, s6;
	s7 =	simm.s32 @p2 $0x1082  }
0x22: {  	[simem:s7], [sflag:s8] =	dma.local @!p0 [hbm:s6], $0xF7A  }
0x23: {  	s9 =	sor.u32 $0xD0000000, s2;
	s6 =	simm.s32 $0x108;
	_ =	swait.ge @!p0 [sflag:s8], $0x0  }
0x24: {  	s3 =	sadd.s32 $0x88, s3;
	s6 =	simm.s32 @!p1 $0x1082;
	[sflag:s4] =	ssyncset.s32 $0xFFFFF086  }
0x25: {  	[simem:s6], [sflag:s4] =	dma.local [hbm:s3], $0xF7A  }
0x26: {  	[smem:$0x3F9A] =	sst s1;
	(tag) =	ssettag s2;
	_ =	strace s9  }
0x27: {  	s1 =	sld [smem:$0x3FAA]  }
0x28: {  	s2 =	sld [smem:$0x3FAB]  }
0x29: {  	s4 =	sld [smem:$0x3FAD]  }
0x2a: {  	p0 =	seq.s32 s5, $0x0;
	s5 =	sld [smem:$0x3FAE]  }
0x2b: {  	s6 =	sld [smem:$0x3FAF]  }
0x2c: {  	s7 =	sld [smem:$0x3FB0]  }
0x2d: {  	s3 =	simm.s32 $0x108;
	s8 =	sld [smem:$0x3FB1]  }
0x2e: {  	s3 =	simm.s32 @!p0 $0x1082;
	s9 =	sld [smem:$0x3FB2]  }
0x2f: {  	lr =	sadd.s32 s0, s3;
	s0 =	sld [smem:$0x3FA9]  }
0x30: {  	s3 =	sld [smem:$0x3FAC]  }
0x31: {  	[smem:$0x3FB5] =	sst s10  }
0x32: {  	s10 =	sld [smem:$0x3FB3];
	_ =	sdelay $0x3  }
0x33: {  	p0 =	seq.s32 s10, $0x1;
	s10 =	sld [smem:$0x3FB5];
	_ =	sdelay $0x3  }
0x34: {  	[smem:$0x3FB5] =	sst s10  }
0x35: {  	s10 =	sld [smem:$0x3FB4];
	_ =	sdelay $0x3  }
0x36: {  	p1 =	seq.s32 s10, $0x1;
	s10 =	sld [smem:$0x3FB5];
	_ =	sdelay $0x3  }
0x37: {  	[smem:$0x3FB5] =	sst s10  }
0x38: {  	s10 =	sld [smem:$0x3FB6]  }
0x39: {  	_ = 	snop;
	(pc) =	sbr.ind lr, $3  }
0x3a: {  	_ = 	snop  }
0x3b: {  	_ = 	snop  }
0x3c: {  	p2 =	seq.s32 s10, $0x1;
	s10 =	sld [smem:$0x3FB5]  }
0x3d: {  	_ =	shalt  }
0x3e: {  	_ =	shalt  }
0x3f: {  	_ =	shalt  }
0x40: {  	_ =	shalt  }
0x41: {  	_ =	shalt  }
0x42: {  	_ =	shalt  }
0x43: {  	_ =	shalt  }
0x44: {  	_ =	shalt  }
0x45: {  	_ =	shalt  }
0x46: {  	_ =	shalt  }
0x47: {  	_ =	shalt  }
0x48: {  	_ =	shalt  }
0x49: {  	_ =	shalt  }
0x4a: {  	_ =	shalt  }
0x4b: {  	_ =	shalt  }
0x4c: {  	_ =	shalt  }
0x4d: {  	_ =	shalt  }
0x4e: {  	_ =	shalt  }
0x4f: {  	_ =	shalt  }
0x50: {  	_ =	shalt  }
0x51: {  	_ =	shalt  }
0x52: {  	_ =	shalt  }
0x53: {  	_ =	shalt  }
0x54: {  	_ =	shalt  }
0x55: {  	_ =	shalt  }
0x56: {  	_ =	shalt  }
0x57: {  	_ =	shalt  }
0x58: {  	_ =	shalt  }
0x59: {  	_ =	shalt  }
0x5a: {  	_ =	shalt  }
0x5b: {  	_ =	shalt  }
0x5c: {  	_ =	shalt  }
0x5d: {  	_ =	shalt  }
0x5e: {  	_ =	shalt  }
0x5f: {  	_ =	shalt  }
0x60: {  	_ =	shalt  }
0x61: {  	_ =	shalt  }
0x62: {  	_ =	shalt  }
0x63: {  	_ =	shalt  }
0x64: {  	_ =	shalt  }
0x65: {  	_ =	shalt  }
0x66: {  	_ =	shalt  }
0x67: {  	_ =	shalt  }
0x68: {  	_ =	shalt  }
0x69: {  	_ =	shalt  }
0x6a: {  	_ =	shalt  }
0x6b: {  	_ =	shalt  }
0x6c: {  	_ =	shalt  }
0x6d: {  	_ =	shalt  }
0x6e: {  	_ =	shalt  }
0x6f: {  	_ =	shalt  }
0x70: {  	_ =	shalt  }
0x71: {  	_ =	shalt  }
0x72: {  	_ =	shalt  }
0x73: {  	_ =	shalt  }
0x74: {  	_ =	shalt  }
0x75: {  	_ =	shalt  }
0x76: {  	_ =	shalt  }
0x77: {  	_ =	shalt  }
0x78: {  	_ =	shalt  }
0x79: {  	_ =	shalt  }
0x7a: {  	_ =	shalt  }
0x7b: {  	_ =	shalt  }
0x7c: {  	_ =	shalt  }
0x7d: {  	_ =	shalt  }
0x7e: {  	_ =	shalt  }
0x7f: {  	_ =	shalt  }
0x80: {  	_ =	shalt  }
0x81: {  	_ =	shalt  }
0x82: {  	_ =	shalt  }
0x83: {  	_ =	shalt  }
0x84: {  	_ =	shalt  }
0x85: {  	_ =	shalt  }
0x86: {  	_ =	shalt  }
0x87: {  	_ =	shalt  }
.Lfunc_end0:
.L_simem_size_0:
called_computation_lowered:
.L_overlay_start_0:
0x88: {  	s2 =	sld [smem:$0x3FD9]  }
0x89: {  	s3 =	sld [smem:$0x3FFE];
	_ =	sdelay $0x1  }
0x8a: {  	s1 =	srdreg.scid  }
0x8b: {  	s0 =	sand.u32 $0x1, s1  }
0x8c: {  	s16 =	sshll.u32 s0, $0xA;
	s2 =	sadd.s32 s3, s2  }
0x8d: {  	s2 =	sadd.s32 s2, s16  }
0x8e: {  	[smem:$0x3FC1] =	sst s2  }
0x8f: {  	_ = 	snop  }
0x90: {  	(tm) =	ssettm $0x1  }
0x91: {  	s17 =	sld [smem:$0x3FFB];
	_ =	sdelay $0x3  }
0x92: {  	_ =	strace s17  }
0x93: {  	s2 =	sld [smem:$0x3FFC];
	_ =	sdelay $0x3  }
0x94: {  	_ =	strace s2  }
0x95: {  	s2 =	sld [smem:$0x3FFD];
	_ =	sdelay $0x3  }
0x96: {  	_ =	strace s2  }
0x97: {  	_ =	strace $0x8FFFFFFF  }
0x98: {  	s18 =	sld [smem:$0x3FDB];
	_ =	sdelay $0x1  }
0x99: {  	s19 =	simm.s32 $_scs_section_size  }
0x9a: {  	s4 =	simm.s32 $_size__tile_overlayer_lowered;
	s5 =	simm.s32 $_tile_overlayer_lowered  }
0x9b: {  	s22 =	simm.s32 $0x1BFF;
	s21 =	sshll.u32 s5, $0x1;
	s2 =	sadd.s32 s19, s18  }
0x9c: {  	s6 =	simm.s32 $0x0;
	s20 =	sshll.u32 s4, $0x1;
	s4 =	sadd.s32 s21, s2  }
0x9d: {  	[timem:s6], [sflag:s22] =	dma.local [hbm:s4], s20  }
0x9e: {  	_ =	swait.ge [sflag:s22], s20  }
0x9f: {  	s3 =	ssub.s32 $0x0, s20;
	[sflag:s22] =	ssyncset.done $0x0  }
0xa0: {  	[sflag:s22] =	ssyncadd.s32 s3;
	_ =	sdelay $0x1  }
0xa1: {  	s23 =	simm.s32 $0x1B8B  }
0xa2: {  	_ =	swait.ge [sflag:s23], $0x1  }
0xa3: {  	[sflag:s23] =	ssyncset.done $0x0  }
0xa4: {  	s25 =	simm.s32 $0x1B8E;
	s24 =	sld [smem:$0x3FFE];
	[sflag:s23] =	ssyncadd.s32 $0xFFFFFFFF  }
0xa5: {  	s26 =	simm.s32 $execute0_lowered;
	[smem:$0x3FD2] =	sst s25  }
0xa6: {  	s4 =	sshll.u32 s26, $0x1;
	_ =	strace $0x80000046;
	[dreg:$0x1] =	wrdreg $0xFFFFFFFF  }
0xa7: {  	s28 =	simm.s32 $_size_execute0_lowered;
	s2 =	sadd.s32 s2, s4;
	[dreg:$0x0] =	wrdreg $0x0  }
0xa8: {  	s4 =	sshll.u32 s28, $0x1;
	[dreg:$0x2] =	wrdreg s2  }
0xa9: {  	[dreg:$0x3] =	wrdreg s4  }
0xaa: {  	[dreg:$0x4] =	wrdreg $0xC0  }
0xab: {  	_ =	task [dreg:s6], $0x5FFFF  }
0xac: {  	[dreg:$0x1] =	wrdreg $0xFFFFFFFF  }
0xad: {  	[dreg:$0x0] =	wrdreg $0x60  }
0xae: {  	[dreg:$0x2] =	wrdreg s24  }
0xaf: {  	[dreg:$0x3] =	wrdreg $0x9  }
0xb0: {  	_ =	task.clear_ibuf [dreg:s6], $0x4FFFF;
	_ =	strace $0x90000046  }
0xb1: {  	s29 =	simm.s32 $0x9;
	_ =	strace $0x80000048  }
0xb2: {  	_ =	swait.ge [sflag:s29], $0x1  }
0xb3: {  	[sflag:s29] =	ssyncadd.s32 $0xFFFFFFFF  }
0xb4: {  	_ =	strace $0x90000048  }
0xb5: {  	_ =	sfence  }
0xb6: {  	s30 =	sld [smem:$0x0];
	_ =	sdelay $0x2  }
0xb7: {  	s31 =	sshll.u32 s1, $0xD;
	s1 =	sshrl.u32 s1, $0x2  }
0xb8: {  	s3 =	sand.u32 $0x4000, s31;
	s1 =	sadd.s32 s1, s30  }
0xb9: {  	s0 =	sor.u32 s3, s0;
	s1 =	sshll.u32 s1, $0x11  }
0xba: {  	s0 =	sor.u32 s1, s0  }
0xbb: {  	s0 =	sadd.s32 $0x8F2B, s0  }
0xbc: {  	[sflag:s0] =	ssyncadd.remote.s32 $0x1  }
0xbd: {  	_ =	sfence.sel $0xFFFF  }
0xbe: {  	[dreg:$0x0] =	wrdreg $0xFFFFFFFF;
	(pc) =	sbr.abs _section_cstart, $3  }
0xbf: {  	[dreg:$0x1] =	wrdreg $0xFFFFFFFF  }
0xc0: {  	_ =	task.clear_ibuf [dreg:s6], $0x2FFFF;
	_ =	strace $0x9FFFFFFF  }
0xc1: {  	(tm) =	ssettm $0x7FFFFFFF  }
tec
execute0_lowered:
.L_overlay_start_1:
0x0: {  	(tag) =	ssettag $0x1  }
0x1: {  	s8 =	rddreg [dreg:$0x0];
	s1 =	stileid.u32  }
0x2: {  	s2 =	srdreg.scid;
	s0 =	rddreg [dreg:$0x1]  }
0x3: {  	_ =	strace $0x80000047;
	s5 =	simm.s32 $0x1;
	s9 =	simm.s32 $0x1  }
0x4: {  	s10 =	simm.s32 $0x3;
	s2 =	sand.u32 $0x1, s2;
	s3 =	sshll.u32 s1, $0x1  }
0x5: {  	s13 =	simm.s32 $0x0;
	s12 =	simm.s32 $0x0;
	s6 =	sor.u32 s3, s2  }
0x6: {  	[sflag:s5] =	ssyncpa.u1 $0x0;
	s2 =	sadd.s32 $0x5A200, s8;
	s4 =	smul.u32 $0x30, s6  }
0x7: {  	s3 =	sadd.s32 $0x49200, s8;
	p0 =	slt.u32 s6, $0xB;
	s6 =	simm.s32 $0x600  }
.Ltmp0:
0x8: {  	s6 =	simm.s32 @!p0 $0x0;
	s7 =	ssub.s32 $0x7E0, s4;
	(pc) =	sbr.rel .LBB2_1-.Ltmp0, $4  }
0x9: {  	s9 =	simm.s32 @!p0 $0x0;
	p0 =	sne.s32 s7, s6;
	s7 =	simm.s32 $0x1  }
0xa: {  	s8 =	sadd.s32 $0x49400, s8;
	s6 =	simm.s32 $0x2;
	s7 =	simm.s32 @!p0 $0x0  }
0xb: {  	s11 =	smov.u32 s4;
	[sflag:s6] =	ssyncpa.u1 $0x0;
	s7 =	sadd.s32 s9, s7  }
0xc: {  	vm0 =	vmmov $0xffff;
	[sflag:s10] =	ssyncpa.u1 $0x0;
	s10 =	simm.s32 $0x0;
	s9 =	sadd.s32 $0x1, s7  }
.LBB2_4:
0xd: {  	v2 =	vand.u32 $0xFFFFFC00, v1;
	v3 =	vand.u32 $0xFFFFFC00, v0  }
0xe: {  	v62 =	vand.u32 $0x380, v1;
	v2 =	vadd.s32 v3, v2  }
0xf: {  	v63 =	vand.u32 $0x7F, v0;
	v1 =	vor.u32 v62, v2  }
0x10: {  	v0 =	vor.u32 v63, v1;
	_ =	sdelay $0x3  }
0x11: {  	(ifvalue) =	ssetifvalue $0x7FFFFFFF;
	s15 =	sadd.s32 $0x10, s15  }
0x12: {  	[tilespmem:s15], [sflag:$0x1] =	stream.indirect_vreg.gather [hbm4b:s2+s10], $0x1, v0, vm0, $0x4038;
	[tilespmem:$0xC0] =	vst v63  }
0x13: {  	_ =	swait.ge [sflag:s5], $0x30  }
0x14: {  	s30 =	sshrl.u32 s13, $0x3;
	[sflag:s5] =	ssyncset.done $0x0  }
0x15: {  	s31 =	sand.u32 $0x7, s13;
	s15 =	sadd.s32 s8, s30;
	[sflag:s5] =	ssyncadd.s32 $0xFFFFFFD0  }
0x16: {  	[hbm4b:s15+s31] =	stream.linear.scatter [tilespmem:s14], [sflag:$0x3], $0x30, $0x38;
	[tilespmem:$0xC0] =	vst v63  }
.LBB2_5:
0x17: {  	s15 =	sadd.s32 $0x600, s11  }
0x18: {  	p1 =	sgt.s32 s15, $0x7DF  }
0x19: {  	s15 =	smov.u32 @p1 s4;
	p1 =	sne.s32 s12, s9  }
.Ltmp1:
0x1a: {  	p0 =	slt.u32 s12, $0x2;
	(pc) =	sbr.rel @!p1 .LBB2_6-.Ltmp1, $4  }
0x1b: {  	s14 =	simm.s32 @!p0 $0x3  }
0x1c: {  	_ =	swait.ge @!p0 [sflag:s14], $0x30  }
0x1d: {  	s16 =	sadd.s32 $0x1, s12;
	s13 =	smov.u32 s11;
	[sflag:s14] =	ssyncset.done @!p0 $0x0  }
0x1e: {  	s12 =	smov.u32 s16;
	s11 =	smov.u32 s15;
	[sflag:s14] =	ssyncadd.s32 @!p0 $0xFFFFFFD0  }
.LBB2_1:
0x1f: {  	p0 =	sge.u32 s12, s7  }
0x20: {  	s14 =	sxor.u32 @!p0 $0x1, s12  }
0x21: {  	s14 =	smul.u32 @!p0 $0xC0, s14  }
0x22: {  	s31 =	sadd.s32 $0xFFFFFFFF, s12;
	s15 =	sshrl.u32 @!p0 s11, $0x3  }
0x23: {  	s16 =	sand.u32 @!p0 $0x7, s11;
	s15 =	sadd.s32 @!p0 s3, s15;
	s14 =	sshra.s32 @!p0 s14, $0x2  }
0x24: {  	[tilespmem:s14], [sflag:$0x2] =	stream.linear.gather @!p0 [hbm4b:s15+s16], $0x30, $0x38;
	[tilespmem:$0xC0] =	vst v63  }
0x25: {  	p0 =	sge.u32 s31, s7  }
.Ltmp2:
0x26: {  	_ = 	snop;
	(pc) =	sbr.rel @p0 .LBB2_5-.Ltmp2, $1  }
0x27: {  	_ =	sdelay $0x3  }
0x28: {  	s14 =	sand.u32 $0x1, s12  }
0x29: {  	_ =	swait.ge [sflag:s6], $0x30;
	p0 =	seq.s32 s14, $0x1;
	s14 =	simm.s32 $0x30  }
0x2a: {  	[sflag:s6] =	ssyncset.done $0x0;
	s14 =	simm.s32 @!p0 $0x0  }
0x2b: {  	[sflag:s6] =	ssyncadd.s32 $0xFFFFFFD0;
	(ifvalue) =	ssetifvalue $0x7FFFFFFF;
	v0 =	vld.msk [tilespmem:s14+$0x0 ss:$0x1], $0xffff;
	_ =	sdelay $0x4  }
0x2c: {  	v1 =	vshrl.u32 v0, $0x6;
	v2 =	vshll.u32 v0, $0x7  }
0x2d: {  	vm1 =	veq.s32 v0, $0x80000000;
	v0 =	vand.u32 $0x3F, v1;
	v1 =	vand.u32 $0x1F80, v2  }
0x2e: {  	v0 =	vsel vm1, $0xFFFFFFFF, v0;
	v1 =	vsel vm1, $0xFFFFFF80, v1  }
0x2f: {  	v2 =	vand.u32 $0xFFFFFC00, v1;
	v3 =	vand.u32 $0xFFFFFC00, v0  }
0x30: {  	s15 =	sadd.s32 $0x10, s14;
	v1 =	vand.u32 $0x380, v1;
	v2 =	vadd.s32 v3, v2  }
0x31: {  	v0 =	vand.u32 $0x7F, v0;
	v1 =	vor.u32 v1, v2;
	v2 =	vld.msk [tilespmem:s15+$0x0 ss:$0x1], $0xffff  }
0x32: {  	v0 =	vor.u32 v0, v1;
	_ =	sdelay $0x3  }
0x33: {  	s14 =	sadd.s32 $0x60, s14;
	(ifvalue) =	ssetifvalue $0x7FFFFFFF;
	v1 =	vshrl.u32 v2, $0x6;
	v3 =	vshll.u32 v2, $0x7  }
0x34: {  	vm1 =	veq.s32 v2, $0x80000000;
	[tilespmem:s14], [sflag:$0x1] =	stream.indirect_vreg.gather [hbm4b:s2+s10], $0x1, v0, vm0, $0x4038;
	v0 =	vand.u32 $0x3F, v1;
	v1 =	vand.u32 $0x1F80, v3;
	[tilespmem:$0xC0] =	vst v63  }
0x35: {  	s16 =	simm.s32 $0x10;
	s17 =	sadd.s32 $0x10, s15;
	s15 =	smov.u32 s14;
	v0 =	vsel vm1, $0xFFFFFFFF, v0;
	v1 =	vsel vm1, $0xFFFFFF80, v1  }
.LBB2_3:
0x36: {  	v2 =	vld.msk [tilespmem:s17+$0x0 ss:$0x1], $0xffff;
	s16 =	sadd.s32 $0x10, s16;
	v3 =	vand.u32 $0xFFFFFC00, v1;
	v4 =	vand.u32 $0xFFFFFC00, v0  }
0x37: {  	v1 =	vand.u32 $0x380, v1;
	p0 =	slt.u32 s16, $0x20;
	v3 =	vadd.s32 v4, v3  }
0x38: {  	v0 =	vand.u32 $0x7F, v0;
	v1 =	vor.u32 v1, v3  }
0x39: {  	v3 =	vor.u32 v0, v1  }
.Ltmp3:
0x3a: {  	(pc) =	sbr.rel @p0 .LBB2_3-.Ltmp3, $4  }
0x3b: {  	_ = 	snop  }
0x3c: {  	v0 =	vshrl.u32 v2, $0x6;
	v1 =	vshll.u32 v2, $0x7  }
0x3d: {  	s17 =	sadd.s32 $0x10, s17;
	s15 =	sadd.s32 $0x10, s15;
	vm1 =	veq.s32 v2, $0x80000000;
	v0 =	vand.u32 $0x3F, v0;
	v1 =	vand.u32 $0x1F80, v1;
	(ifvalue) =	ssetifvalue $0x7FFFFFFF  }
0x3e: {  	v0 =	vsel vm1, $0xFFFFFFFF, v0;
	v1 =	vsel vm1, $0xFFFFFF80, v1;
	[tilespmem:s15], [sflag:$0x1] =	stream.indirect_vreg.gather [hbm4b:s2+s10], $0x1, v3, vm0, $0x4038;
	[tilespmem:$0xC0] =	vst v63  }
.Ltmp4:
0x3f: {  	_ = 	snop;
	(pc) =	sbr.rel .LBB2_4-.Ltmp4, $1  }
0x40: {  	_ =	sdelay $0x3  }
.LBB2_6:
0x41: {  	_ =	sfence.sel $0x180000  }
0x42: {  	s2 =	simm.s32 $0x2;
	[bflag:$0x0] =	sbarrier.arrive $0xFFFF  }
0x43: {  	s30 =	simm.s32 $0x3;
	[sflag:s2] =	ssyncpa.u1 $0x1  }
0x44: {  	s31 =	simm.s32 $0x1;
	[sflag:s30] =	ssyncpa.u1 $0x1  }
0x45: {  	[sflag:s31] =	ssyncpa.u1 $0x1  }
0x46: {  	p0 =	sne.s32 s1, $0x0;
	_ =	strace $0x90000047  }
0x47: {  	s0 =	sadd.s32 @!p0 $0x100000, s0;
	[bflag:$0x2] =	sbarrier.arrive $0xFFFF  }
0x48: {  	[sflag:s0] =	ssyncadd.tile.s32 @!p0 $0x1;
	_ =	shalt  }
.Lfunc_end2:
_tile_overlayer_lowered:
.L_overlay_start_2:
0x49: {  	(tag) =	ssettag $0x2  }
0x4a: {  	s0 =	rddreg [dreg:$0x0];
	s2 =	stileid.u32  }
0x4b: {  	s1 =	rddreg [dreg:$0x1];
	p0 =	sne.s32 s2, $0x0  }
0x4c: {  	s3 =	rddreg [dreg:$0x2];
	[bflag:$0x3] =	sbarrier.arrive $0xFFFF;
	s2 =	simm.s32 @!p0 $0x1C01  }
0x4d: {  	[timem:s3], [sflag:s2] =	dma.local @!p0 [hbm:s0], s1  }
0x4e: {  	s0 =	simm.s32 @!p0 $0x1  }
0x4f: {  	_ =	swait.ge @!p0 [sflag:s0], s1  }
0x50: {  	s1 =	ssub.s32 @!p0 $0x0, s1;
	[sflag:s0] =	ssyncset.done @!p0 $0x0  }
0x51: {  	[sflag:s0] =	ssyncadd.s32 @!p0 s1  }
0x52: {  	[bflag:$0x3] =	sbarrier.arrive $0xFFFF  }
0x53: {  	_ =	shalt  }

</sc_bundles>
